<compile_context>
chip_gen: v7x
topology: tpu7x:2x2x1
jax: 0.10.2.dev20260603
libtpu: 0.0.44.dev20260713+nightly
codegen_flags: <defaults>
</compile_context>

<pallas_src>
import math

import jax
import jax.numpy as jnp
from jax import lax
from jax.experimental import pallas as pl
from jax.experimental.pallas import tpu as pltpu
from jax.experimental.pallas import tpu_sc as plsc

N = 10000
E = 320000
D_IN = 128
D_OUT = 64
NL = 100
WID = 80
CNT_COL = 64
R = 10240
NC = 2
NS = 16
NW = NC * NS
CH = 125
NSTREAM = 80
EPW = CH * NSTREAM
RPT = R // NS

B1 = 2000
B2 = 2000

S_SCALE = 64.0
MARG = 0.1
COS_M = math.cos(MARG)
SIN_M = math.sin(MARG)
TH = math.cos(math.pi - MARG)
MM = math.sin(math.pi - MARG) * MARG

_DN = (((1,), (1,)), ((), ()))


def _tc1_body(x_ref, wle_ref, yext_ref):
    xb = x_ref[...]
    y = lax.dot_general(xb, wle_ref[...], _DN,
                        preferred_element_type=jnp.float32,
                        precision=lax.Precision.HIGHEST)
    col = lax.broadcasted_iota(jnp.int32, (B1, WID), 1)
    ye = y + jnp.where(col == CNT_COL, 1.0, 0.0).astype(jnp.float32)
    yext_ref[...] = ye.astype(jnp.bfloat16)


def _tc1z_body(x_ref, wr_ref, z_ref):
    z_ref[...] = lax.dot_general(x_ref[...], wr_ref[...], _DN,
                                 preferred_element_type=jnp.float32,
                                 precision=lax.Precision.HIGHEST)


def _tc2_body(s_ref, z_ref, bl_ref, lab_ref, w_ref, feat_ref, out_ref):
    se = s_ref[0].astype(jnp.float32) + s_ref[1].astype(jnp.float32)
    cols = lax.broadcasted_iota(jnp.int32, (B2, WID), 1)
    cnt = jnp.sum(jnp.where(cols == CNT_COL, se, 0.0), axis=1, keepdims=True)
    agg = se[:, :D_OUT] / jnp.maximum(cnt, 1.0)
    h = agg + bl_ref[...] + z_ref[...]
    feat_ref[...] = h
    hr = jnp.maximum(h, 0.0)
    hn = hr / jnp.maximum(jnp.sqrt(jnp.sum(hr * hr, axis=1, keepdims=True)),
                          1e-12)
    w = w_ref[...]
    wn = w / jnp.maximum(jnp.sqrt(jnp.sum(w * w, axis=1, keepdims=True)),
                         1e-12)
    cosine = lax.dot_general(hn, wn, _DN,
                             preferred_element_type=jnp.float32,
                             precision=lax.Precision.HIGHEST)
    sine = jnp.sqrt(jnp.clip(1.0 - cosine * cosine, 0.0, 1.0))
    phi = cosine * COS_M - sine * SIN_M
    phi = jnp.where(cosine > TH, phi, cosine - MM)
    lcols = lax.broadcasted_iota(jnp.int32, (B2, NL), 1)
    onehot = lcols == lab_ref[...]
    out_ref[...] = jnp.where(onehot, phi, cosine) * S_SCALE


def _sc_agg_body(yext_hbm, ei_hbm, zeros_hbm, out_hbm,
                 sidx_v, didx_v, rows_v, acc_s, gsem, ssem):
    cid = lax.axis_index("c")
    sid = lax.axis_index("s")
    wid = sid * NC + cid
    pltpu.sync_copy(zeros_hbm, acc_s.at[pl.ds(sid * RPT, RPT)])
    pltpu.sync_copy(ei_hbm.at[0, wid], sidx_v)
    pltpu.sync_copy(ei_hbm.at[1, wid], didx_v)
    plsc.subcore_barrier()

    def gather(j, k):
        pltpu.async_copy(yext_hbm.at[sidx_v.at[j]], rows_v[k], gsem[k])

    def gather_wait(j, k):
        pltpu.make_async_copy(yext_hbm.at[sidx_v.at[j]], rows_v[k],
                              gsem[k]).wait()

    def scatter(j, k):
        pltpu.async_copy(rows_v[k], acc_s.at[didx_v.at[j]], ssem[k],
                         add=True)

    def scatter_wait(j, k):
        pltpu.make_async_copy(rows_v[k], acc_s.at[didx_v.at[j]],
                              ssem[k]).wait()

    gather(0, 0)
    gather(1, 1)

    def body(i, carry):
        for k in range(4):
            j = 4 * i + k
            gather_wait(j, k)
            scatter(j, k)
            kk = (k + 2) % 4

            @pl.when(j + 2 < NSTREAM)
            def _():
                @pl.when(j >= 2)
                def _():
                    scatter_wait(j - 2, kk)

                gather(j + 2, kk)

        return carry

    lax.fori_loop(0, NSTREAM // 4, body, 0)
    for k in range(4):
        scatter_wait(NSTREAM - 4 + k, k)
    plsc.subcore_barrier()
    pltpu.sync_copy(acc_s.at[pl.ds(sid * RPT, RPT)],
                    out_hbm.at[cid, pl.ds(sid * RPT, RPT)])


def _make_sc_agg():
    mesh = plsc.VectorSubcoreMesh(core_axis_name="c", subcore_axis_name="s")
    return pl.kernel(
        _sc_agg_body,
        out_type=jax.ShapeDtypeStruct((NC, R, WID), jnp.bfloat16),
        mesh=mesh,
        scratch_types=[
            pltpu.VMEM((NSTREAM, CH), jnp.int32),
            pltpu.VMEM((NSTREAM, CH), jnp.int32),
            [pltpu.VMEM((CH, WID), jnp.bfloat16) for _ in range(4)],
            pltpu.VMEM_SHARED((R, WID), jnp.bfloat16),
            [pltpu.SemaphoreType.DMA for _ in range(4)],
            [pltpu.SemaphoreType.DMA for _ in range(4)],
        ],
        compiler_params=pltpu.CompilerParams(use_tc_tiling_on_sc=False),
    )


_tc1_call = pl.pallas_call(
    _tc1_body,
    grid=(N // B1,),
    in_specs=[
        pl.BlockSpec((B1, D_IN), lambda j: (j, 0)),
        pl.BlockSpec((WID, D_IN), lambda j: (0, 0)),
    ],
    out_specs=pl.BlockSpec((B1, WID), lambda j: (j, 0)),
    out_shape=jax.ShapeDtypeStruct((R, WID), jnp.bfloat16),
)

_tc1z_call = pl.pallas_call(
    _tc1z_body,
    grid=(N // B1,),
    in_specs=[
        pl.BlockSpec((B1, D_IN), lambda j: (j, 0)),
        pl.BlockSpec((D_OUT, D_IN), lambda j: (0, 0)),
    ],
    out_specs=pl.BlockSpec((B1, D_OUT), lambda j: (j, 0)),
    out_shape=jax.ShapeDtypeStruct((N, D_OUT), jnp.float32),
)

_tc2_call = pl.pallas_call(
    _tc2_body,
    grid=(N // B2,),
    in_specs=[
        pl.BlockSpec((NC, B2, WID), lambda j: (0, j, 0)),
        pl.BlockSpec((B2, D_OUT), lambda j: (j, 0)),
        pl.BlockSpec((1, D_OUT), lambda j: (0, 0)),
        pl.BlockSpec((B2, 1), lambda j: (j, 0)),
        pl.BlockSpec((NL, D_OUT), lambda j: (0, 0)),
    ],
    out_specs=[
        pl.BlockSpec((B2, D_OUT), lambda j: (j, 0)),
        pl.BlockSpec((B2, NL), lambda j: (j, 0)),
    ],
    out_shape=[
        jax.ShapeDtypeStruct((N, D_OUT), jnp.float32),
        jax.ShapeDtypeStruct((N, NL), jnp.float32),
    ],
)


def kernel(x, edge_index, label, Wl, bl, Wr, weight):
    wle = jnp.zeros((WID, D_IN), jnp.float32).at[:D_OUT].set(Wl)
    ei4 = edge_index.reshape(2, NW, NSTREAM, CH)

    yext = _tc1_call(x, wle)
    z = _tc1z_call(x, Wr)
    zeros = jnp.zeros((RPT, WID), jnp.bfloat16)
    part = _make_sc_agg()(yext, ei4, zeros)
    feat, outp = _tc2_call(part, z, bl.reshape(1, D_OUT),
                           label.reshape(N, 1), weight)
    return (feat, outp)

# --- scband reference (transcript-rebuilt; emitter-appended) ---
"""Pipeline reference for scband-annotate-model-15874199126168 (READ-ONLY COPY).

The authoritative reference and input builder live on the scoring server;
editing this copy changes nothing except your own understanding.
"""

import jax
import jax.numpy as jnp
import numpy as np
import math

N_NODES = 10000
N_EDGES = 320000
D_IN = 128
D_OUT = 64
N_LABELS = 100
S = 64.0
M = 0.1
COS_M = math.cos(M)
SIN_M = math.sin(M)
TH = math.cos(math.pi - M)
MM = math.sin(math.pi - M) * M


def setup_inputs(seed: int = 0) -> dict:
    key = jax.random.key(seed)
    ks = jax.random.split(key, 8)
    x = jax.random.normal(ks[0], (N_NODES, D_IN), dtype=jnp.float32)
    edge_index = jax.random.randint(ks[1], (2, N_EDGES), 0, N_NODES, dtype=jnp.int32)
    label = jax.random.randint(ks[2], (N_NODES,), 0, N_LABELS, dtype=jnp.int32)
    # SAGEConv params: lin_l (neighbor agg, with bias), lin_r (root, no bias)
    Wl = jax.random.normal(ks[3], (D_OUT, D_IN), dtype=jnp.float32) * (1.0 / math.sqrt(D_IN))
    bl = jnp.zeros((D_OUT,), dtype=jnp.float32)
    Wr = jax.random.normal(ks[4], (D_OUT, D_IN), dtype=jnp.float32) * (1.0 / math.sqrt(D_IN))
    # ArcMargin class weight (xavier uniform)
    lim = math.sqrt(6.0 / (N_LABELS + D_OUT))
    weight = jax.random.uniform(ks[5], (N_LABELS, D_OUT), minval=-lim, maxval=lim, dtype=jnp.float32)
    return {"x": x, "edge_index": edge_index, "label": label, "Wl": Wl, "bl": bl, "Wr": Wr, "weight": weight}


def _l2norm(a, axis):
    n = jnp.sqrt(jnp.sum(a * a, axis=axis, keepdims=True))
    return a / jnp.maximum(n, 1e-12)


def reference(x, edge_index, label, Wl, bl, Wr, weight):
    N = x.shape[0]
    src = edge_index[0]
    dst = edge_index[1]
    # SAGEConv with mean aggregation: out = lin_l(mean_{j->i} x_j) + lin_r(x_i)
    msg = jnp.take(x, src, axis=0)
    summed = jax.ops.segment_sum(msg, dst, num_segments=N)
    cnt = jax.ops.segment_sum(jnp.ones((msg.shape[0], 1), dtype=x.dtype), dst, num_segments=N)
    agg = summed / jnp.maximum(cnt, 1.0)
    h = agg @ Wl.T + bl + x @ Wr.T
    feat = h
    hr = jax.nn.relu(h)
    cosine = _l2norm(hr, 1) @ _l2norm(weight, 1).T
    sine = jnp.sqrt(jnp.clip(1.0 - cosine ** 2, 0.0, 1.0))
    phi = cosine * COS_M - sine * SIN_M
    phi = jnp.where(cosine > TH, phi, cosine - MM)
    one_hot = jax.nn.one_hot(label, cosine.shape[1], dtype=cosine.dtype)
    output = (one_hot * phi + (1.0 - one_hot) * cosine) * S
    return (feat, output)

if __name__ == "__main__":
    import jax
    _d = setup_inputs()
    print(jax.jit(kernel)(*tuple(_d.values())))

</pallas_src>

<mosaic_0001>
#map = affine_map<(d0, d1) -> (0, 0)>
#map1 = affine_map<(d0, d1) -> (0, 0, 0, 0)>
#map2 = affine_map<(d0, d1) -> (0, 0, 0)>
module attributes {stable_mosaic.version = 14 : i64} {
  func.func @_sc_agg_body(%arg0: i32, %arg1: i32, %arg2: memref<10240x80xbf16, #tpu.memory_space<hbm>>, %arg3: memref<2x32x80x125xi32, #tpu.memory_space<hbm>>, %arg4: memref<640x80xbf16, #tpu.memory_space<hbm>>, %arg5: memref<2x10240x80xbf16, #tpu.memory_space<hbm>>, %arg6: memref<80x125xi32, #tpu.memory_space<vmem>>, %arg7: memref<80x125xi32, #tpu.memory_space<vmem>>, %arg8: memref<125x80xbf16, #tpu.memory_space<vmem>>, %arg9: memref<125x80xbf16, #tpu.memory_space<vmem>>, %arg10: memref<125x80xbf16, #tpu.memory_space<vmem>>, %arg11: memref<125x80xbf16, #tpu.memory_space<vmem>>, %arg12: memref<10240x80xbf16, #tpu.memory_space<vmem_shared>>, %arg13: memref<!tpu.dma_semaphore, #tpu.memory_space<semaphore_mem>>, %arg14: memref<!tpu.dma_semaphore, #tpu.memory_space<semaphore_mem>>, %arg15: memref<!tpu.dma_semaphore, #tpu.memory_space<semaphore_mem>>, %arg16: memref<!tpu.dma_semaphore, #tpu.memory_space<semaphore_mem>>, %arg17: memref<!tpu.dma_semaphore, #tpu.memory_space<semaphore_mem>>, %arg18: memref<!tpu.dma_semaphore, #tpu.memory_space<semaphore_mem>>, %arg19: memref<!tpu.dma_semaphore, #tpu.memory_space<semaphore_mem>>, %arg20: memref<!tpu.dma_semaphore, #tpu.memory_space<semaphore_mem>>) attributes {dimension_semantics = [#tpu.dimension_semantics<core_parallel>, #tpu.dimension_semantics<subcore_parallel>], iteration_bounds = array<i64: 2, 16>, scalar_prefetch = 0 : i64, scratch_operands = 15 : i64, tpu.core_type = #tpu.core_type<sc_vector_subcore>, window_params = [{transform_indices = #map}, {transform_indices = #map1}, {transform_indices = #map}, {transform_indices = #map2}]} {
    %mul3A = arith.constant 2 : i32
    %mul3A_0 = arith.muli %arg1, %mul3A : i32
    %add3A = arith.addi %mul3A_0, %arg0 : i32
    %mul3A_1 = arith.constant 640 : i32
    %mul3A_2 = arith.muli %arg1, %mul3A_1 : i32
    "tpu.region"() ({
      %run_scoped3A_54 = tpu.sem_alloc : memref<!tpu.dma_semaphore, #tpu.memory_space<semaphore_mem>>
      %dma_start3A_55 = arith.constant 0 : i32
      %dma_start3A_56 = tpu.memref_slice %arg12[%mul3A_2, %dma_start3A_55] : memref<10240x80xbf16, #tpu.memory_space<vmem_shared>> -> memref<640x80xbf16, #tpu.memory_space<vmem_shared>>
      tpu.enqueue_dma source(%arg4 : memref<640x80xbf16, #tpu.memory_space<hbm>>) target(%dma_start3A_56 : memref<640x80xbf16, #tpu.memory_space<vmem_shared>>) target_semaphore(%run_scoped3A_54 : memref<!tpu.dma_semaphore, #tpu.memory_space<semaphore_mem>>)
      %dma_wait3A_57 = arith.constant 0 : i32
      %dma_wait3A_58 = tpu.memref_slice %arg12[%mul3A_2, %dma_wait3A_57] : memref<10240x80xbf16, #tpu.memory_space<vmem_shared>> -> memref<640x80xbf16, #tpu.memory_space<vmem_shared>>
      tpu.wait_dma2 semaphore(%run_scoped3A_54 : memref<!tpu.dma_semaphore, #tpu.memory_space<semaphore_mem>>) src(%arg4 : memref<640x80xbf16, #tpu.memory_space<hbm>>) dst(%dma_wait3A_58 : memref<640x80xbf16, #tpu.memory_space<vmem_shared>>)
      tpu.yield
    }) : () -> ()
    %run_scoped3A = arith.constant 0 : i32
    "tpu.region"() ({
      %run_scoped3A_54 = tpu.sem_alloc : memref<!tpu.dma_semaphore, #tpu.memory_space<semaphore_mem>>
      %dma_start3A_55 = arith.constant 0 : i32
      %dma_start3A_56 = arith.constant 0 : i32
      %dma_start3A_57 = tpu.memref_slice %arg3[%run_scoped3A, %add3A, %dma_start3A_55, %dma_start3A_56] : memref<2x32x80x125xi32, #tpu.memory_space<hbm>> -> memref<1x1x80x125xi32, #tpu.memory_space<hbm>>
      %dma_start3A_58 = tpu.memref_squeeze %dma_start3A_57 : memref<1x1x80x125xi32, #tpu.memory_space<hbm>> -> memref<80x125xi32, #tpu.memory_space<hbm>>
      %dma_start3A_59 = arith.constant 0 : i32
      %dma_start3A_60 = arith.constant 0 : i32
      %dma_start3A_61 = tpu.memref_slice %arg3[%run_scoped3A, %add3A, %dma_start3A_59, %dma_start3A_60] : memref<2x32x80x125xi32, #tpu.memory_space<hbm>> -> memref<1x1x80x125xi32, #tpu.memory_space<hbm>>
      %dma_start3A_62 = tpu.memref_squeeze %dma_start3A_61 : memref<1x1x80x125xi32, #tpu.memory_space<hbm>> -> memref<80x125xi32, #tpu.memory_space<hbm>>
      tpu.enqueue_dma source(%dma_start3A_62 : memref<80x125xi32, #tpu.memory_space<hbm>>) target(%arg6 : memref<80x125xi32, #tpu.memory_space<vmem>>) target_semaphore(%run_scoped3A_54 : memref<!tpu.dma_semaphore, #tpu.memory_space<semaphore_mem>>)
      %dma_wait3A_63 = arith.constant 0 : i32
      %dma_wait3A_64 = arith.constant 0 : i32
      %dma_wait3A_65 = tpu.memref_slice %arg3[%run_scoped3A, %add3A, %dma_wait3A_63, %dma_wait3A_64] : memref<2x32x80x125xi32, #tpu.memory_space<hbm>> -> memref<1x1x80x125xi32, #tpu.memory_space<hbm>>
      %dma_wait3A_66 = tpu.memref_squeeze %dma_wait3A_65 : memref<1x1x80x125xi32, #tpu.memory_space<hbm>> -> memref<80x125xi32, #tpu.memory_space<hbm>>
      %dma_wait3A_67 = arith.constant 0 : i32
      %dma_wait3A_68 = arith.constant 0 : i32
      %dma_wait3A_69 = tpu.memref_slice %arg3[%run_scoped3A, %add3A, %dma_wait3A_67, %dma_wait3A_68] : memref<2x32x80x125xi32, #tpu.memory_space<hbm>> -> memref<1x1x80x125xi32, #tpu.memory_space<hbm>>
      %dma_wait3A_70 = tpu.memref_squeeze %dma_wait3A_69 : memref<1x1x80x125xi32, #tpu.memory_space<hbm>> -> memref<80x125xi32, #tpu.memory_space<hbm>>
      tpu.wait_dma2 semaphore(%run_scoped3A_54 : memref<!tpu.dma_semaphore, #tpu.memory_space<semaphore_mem>>) src(%dma_wait3A_70 : memref<80x125xi32, #tpu.memory_space<hbm>>) dst(%arg6 : memref<80x125xi32, #tpu.memory_space<vmem>>)
      tpu.yield
    }) : () -> ()
    %run_scoped3A_3 = arith.constant 1 : i32
    "tpu.region"() ({
      %run_scoped3A_54 = tpu.sem_alloc : memref<!tpu.dma_semaphore, #tpu.memory_space<semaphore_mem>>
      %dma_start3A_55 = arith.constant 0 : i32
      %dma_start3A_56 = arith.constant 0 : i32
      %dma_start3A_57 = tpu.memref_slice %arg3[%run_scoped3A_3, %add3A, %dma_start3A_55, %dma_start3A_56] : memref<2x32x80x125xi32, #tpu.memory_space<hbm>> -> memref<1x1x80x125xi32, #tpu.memory_space<hbm>>
      %dma_start3A_58 = tpu.memref_squeeze %dma_start3A_57 : memref<1x1x80x125xi32, #tpu.memory_space<hbm>> -> memref<80x125xi32, #tpu.memory_space<hbm>>
      %dma_start3A_59 = arith.constant 0 : i32
      %dma_start3A_60 = arith.constant 0 : i32
      %dma_start3A_61 = tpu.memref_slice %arg3[%run_scoped3A_3, %add3A, %dma_start3A_59, %dma_start3A_60] : memref<2x32x80x125xi32, #tpu.memory_space<hbm>> -> memref<1x1x80x125xi32, #tpu.memory_space<hbm>>
      %dma_start3A_62 = tpu.memref_squeeze %dma_start3A_61 : memref<1x1x80x125xi32, #tpu.memory_space<hbm>> -> memref<80x125xi32, #tpu.memory_space<hbm>>
      tpu.enqueue_dma source(%dma_start3A_62 : memref<80x125xi32, #tpu.memory_space<hbm>>) target(%arg7 : memref<80x125xi32, #tpu.memory_space<vmem>>) target_semaphore(%run_scoped3A_54 : memref<!tpu.dma_semaphore, #tpu.memory_space<semaphore_mem>>)
      %dma_wait3A_63 = arith.constant 0 : i32
      %dma_wait3A_64 = arith.constant 0 : i32
      %dma_wait3A_65 = tpu.memref_slice %arg3[%run_scoped3A_3, %add3A, %dma_wait3A_63, %dma_wait3A_64] : memref<2x32x80x125xi32, #tpu.memory_space<hbm>> -> memref<1x1x80x125xi32, #tpu.memory_space<hbm>>
      %dma_wait3A_66 = tpu.memref_squeeze %dma_wait3A_65 : memref<1x1x80x125xi32, #tpu.memory_space<hbm>> -> memref<80x125xi32, #tpu.memory_space<hbm>>
      %dma_wait3A_67 = arith.constant 0 : i32
      %dma_wait3A_68 = arith.constant 0 : i32
      %dma_wait3A_69 = tpu.memref_slice %arg3[%run_scoped3A_3, %add3A, %dma_wait3A_67, %dma_wait3A_68] : memref<2x32x80x125xi32, #tpu.memory_space<hbm>> -> memref<1x1x80x125xi32, #tpu.memory_space<hbm>>
      %dma_wait3A_70 = tpu.memref_squeeze %dma_wait3A_69 : memref<1x1x80x125xi32, #tpu.memory_space<hbm>> -> memref<80x125xi32, #tpu.memory_space<hbm>>
      tpu.wait_dma2 semaphore(%run_scoped3A_54 : memref<!tpu.dma_semaphore, #tpu.memory_space<semaphore_mem>>) src(%dma_wait3A_70 : memref<80x125xi32, #tpu.memory_space<hbm>>) dst(%arg7 : memref<80x125xi32, #tpu.memory_space<vmem>>)
      tpu.yield
    }) : () -> ()
    %barrier3A = arith.constant 0 : index
    tpu.barrier barrier_id(%barrier3A)
    %dma_start3A = arith.constant 0 : i32
    %dma_start3A_4 = arith.constant 0 : i32
    %dma_start3A_5 = tpu.memref_slice %arg6[%dma_start3A, %dma_start3A_4] : memref<80x125xi32, #tpu.memory_space<vmem>> -> memref<1x125xi32, #tpu.memory_space<vmem>>
    %dma_start3A_6 = tpu.memref_squeeze %dma_start3A_5 : memref<1x125xi32, #tpu.memory_space<vmem>> -> memref<125xi32, #tpu.memory_space<vmem>>
    %dma_start3A_7 = arith.constant 0 : i32
    %dma_start3A_8 = arith.constant 0 : i32
    %dma_start3A_9 = tpu.memref_slice %arg2[%dma_start3A_7, %dma_start3A_8] : memref<10240x80xbf16, #tpu.memory_space<hbm>> -> memref<10240x80xbf16, #tpu.memory_space<hbm>>
    tpu.enqueue_indirect_dma source(%dma_start3A_9 : memref<10240x80xbf16, #tpu.memory_space<hbm>>) target(%arg8 : memref<125x80xbf16, #tpu.memory_space<vmem>>) offsets(%dma_start3A_6 : memref<125xi32, #tpu.memory_space<vmem>>) semaphore(%arg13 : memref<!tpu.dma_semaphore, #tpu.memory_space<semaphore_mem>>)
    %dma_start3A_10 = arith.constant 1 : i32
    %dma_start3A_11 = arith.constant 0 : i32
    %dma_start3A_12 = tpu.memref_slice %arg6[%dma_start3A_10, %dma_start3A_11] : memref<80x125xi32, #tpu.memory_space<vmem>> -> memref<1x125xi32, #tpu.memory_space<vmem>>
    %dma_start3A_13 = tpu.memref_squeeze %dma_start3A_12 : memref<1x125xi32, #tpu.memory_space<vmem>> -> memref<125xi32, #tpu.memory_space<vmem>>
    %dma_start3A_14 = arith.constant 0 : i32
    %dma_start3A_15 = arith.constant 0 : i32
    %dma_start3A_16 = tpu.memref_slice %arg2[%dma_start3A_14, %dma_start3A_15] : memref<10240x80xbf16, #tpu.memory_space<hbm>> -> memref<10240x80xbf16, #tpu.memory_space<hbm>>
    tpu.enqueue_indirect_dma source(%dma_start3A_16 : memref<10240x80xbf16, #tpu.memory_space<hbm>>) target(%arg9 : memref<125x80xbf16, #tpu.memory_space<vmem>>) offsets(%dma_start3A_13 : memref<125xi32, #tpu.memory_space<vmem>>) semaphore(%arg14 : memref<!tpu.dma_semaphore, #tpu.memory_space<semaphore_mem>>)
    %scan3A = arith.constant 0 : i32
    %scan3A_17 = arith.constant 0 : i32
    %scan3A_18 = arith.constant 20 : i32
    %scan3A_19 = arith.addi %scan3A_17, %scan3A_18 : i32
    %scan3A_20 = arith.constant 1 : i32
    scf.for %scan3A_54 = %scan3A_17 to %scan3A_19 step %scan3A_20  : i32 {
      %mul3A_55 = arith.constant 4 : i32
      %mul3A_56 = arith.muli %mul3A_55, %scan3A_54 : i32
      %add3A_57 = arith.constant 0 : i32
      %add3A_58 = arith.addi %mul3A_56, %add3A_57 : i32
      %dma_wait3A_59 = arith.constant 0 : i32
      %dma_wait3A_60 = tpu.memref_slice %arg6[%add3A_58, %dma_wait3A_59] : memref<80x125xi32, #tpu.memory_space<vmem>> -> memref<1x125xi32, #tpu.memory_space<vmem>>
      %dma_wait3A_61 = tpu.memref_squeeze %dma_wait3A_60 : memref<1x125xi32, #tpu.memory_space<vmem>> -> memref<125xi32, #tpu.memory_space<vmem>>
      %dma_wait3A_62 = arith.constant 0 : i32
      %dma_wait3A_63 = arith.constant 0 : i32
      %dma_wait3A_64 = tpu.memref_slice %arg2[%dma_wait3A_62, %dma_wait3A_63] : memref<10240x80xbf16, #tpu.memory_space<hbm>> -> memref<10240x80xbf16, #tpu.memory_space<hbm>>
      tpu.wait_indirect_dma semaphore(%arg13 : memref<!tpu.dma_semaphore, #tpu.memory_space<semaphore_mem>>) src(%dma_wait3A_64 : memref<10240x80xbf16, #tpu.memory_space<hbm>>) dst(%arg8 : memref<125x80xbf16, #tpu.memory_space<vmem>>)
      %dma_start3A_65 = arith.constant 0 : i32
      %dma_start3A_66 = tpu.memref_slice %arg7[%add3A_58, %dma_start3A_65] : memref<80x125xi32, #tpu.memory_space<vmem>> -> memref<1x125xi32, #tpu.memory_space<vmem>>
      %dma_start3A_67 = tpu.memref_squeeze %dma_start3A_66 : memref<1x125xi32, #tpu.memory_space<vmem>> -> memref<125xi32, #tpu.memory_space<vmem>>
      %dma_start3A_68 = arith.constant 0 : i32
      %dma_start3A_69 = arith.constant 0 : i32
      %dma_start3A_70 = tpu.memref_slice %arg12[%dma_start3A_68, %dma_start3A_69] : memref<10240x80xbf16, #tpu.memory_space<vmem_shared>> -> memref<10240x80xbf16, #tpu.memory_space<vmem_shared>>
      tpu.enqueue_indirect_dma source(%arg8 : memref<125x80xbf16, #tpu.memory_space<vmem>>) target(%dma_start3A_70 : memref<10240x80xbf16, #tpu.memory_space<vmem_shared>>) offsets(%dma_start3A_67 : memref<125xi32, #tpu.memory_space<vmem>>) semaphore(%arg17 : memref<!tpu.dma_semaphore, #tpu.memory_space<semaphore_mem>>) {add = true}
      %add3A_71 = arith.constant 2 : i32
      %add3A_72 = arith.addi %add3A_58, %add3A_71 : i32
      %lt3A = arith.constant 80 : i32
      %lt3A_73 = arith.cmpi slt, %add3A_72, %lt3A : i32
      %convert_element_type3A = arith.extui %lt3A_73 : i1 to i32
      %cond3A = arith.constant 0 : i32
      %cond3A_74 = arith.cmpi ne, %convert_element_type3A, %cond3A : i32
      scf.if %cond3A_74 {
        %ge3A = arith.constant 2 : i32
        %ge3A_144 = arith.cmpi sge, %add3A_58, %ge3A : i32
        %convert_element_type3A_145 = arith.extui %ge3A_144 : i1 to i32
        %cond3A_146 = arith.constant 0 : i32
        %cond3A_147 = arith.cmpi ne, %convert_element_type3A_145, %cond3A_146 : i32
        scf.if %cond3A_147 {
          %sub3A = arith.constant 2 : i32
          %sub3A_156 = arith.subi %add3A_58, %sub3A : i32
          %dma_wait3A_157 = arith.constant 0 : i32
          %dma_wait3A_158 = tpu.memref_slice %arg7[%sub3A_156, %dma_wait3A_157] : memref<80x125xi32, #tpu.memory_space<vmem>> -> memref<1x125xi32, #tpu.memory_space<vmem>>
          %dma_wait3A_159 = tpu.memref_squeeze %dma_wait3A_158 : memref<1x125xi32, #tpu.memory_space<vmem>> -> memref<125xi32, #tpu.memory_space<vmem>>
          %dma_wait3A_160 = arith.constant 0 : i32
          %dma_wait3A_161 = arith.constant 0 : i32
          %dma_wait3A_162 = tpu.memref_slice %arg12[%dma_wait3A_160, %dma_wait3A_161] : memref<10240x80xbf16, #tpu.memory_space<vmem_shared>> -> memref<10240x80xbf16, #tpu.memory_space<vmem_shared>>
          tpu.wait_indirect_dma semaphore(%arg19 : memref<!tpu.dma_semaphore, #tpu.memory_space<semaphore_mem>>) src(%arg10 : memref<125x80xbf16, #tpu.memory_space<vmem>>) dst(%dma_wait3A_162 : memref<10240x80xbf16, #tpu.memory_space<vmem_shared>>)
        } else {
        }
        %add3A_148 = arith.constant 2 : i32
        %add3A_149 = arith.addi %add3A_58, %add3A_148 : i32
        %dma_start3A_150 = arith.constant 0 : i32
        %dma_start3A_151 = tpu.memref_slice %arg6[%add3A_149, %dma_start3A_150] : memref<80x125xi32, #tpu.memory_space<vmem>> -> memref<1x125xi32, #tpu.memory_space<vmem>>
        %dma_start3A_152 = tpu.memref_squeeze %dma_start3A_151 : memref<1x125xi32, #tpu.memory_space<vmem>> -> memref<125xi32, #tpu.memory_space<vmem>>
        %dma_start3A_153 = arith.constant 0 : i32
        %dma_start3A_154 = arith.constant 0 : i32
        %dma_start3A_155 = tpu.memref_slice %arg2[%dma_start3A_153, %dma_start3A_154] : memref<10240x80xbf16, #tpu.memory_space<hbm>> -> memref<10240x80xbf16, #tpu.memory_space<hbm>>
        tpu.enqueue_indirect_dma source(%dma_start3A_155 : memref<10240x80xbf16, #tpu.memory_space<hbm>>) target(%arg10 : memref<125x80xbf16, #tpu.memory_space<vmem>>) offsets(%dma_start3A_152 : memref<125xi32, #tpu.memory_space<vmem>>) semaphore(%arg15 : memref<!tpu.dma_semaphore, #tpu.memory_space<semaphore_mem>>)
      } else {
      }
      %mul3A_75 = arith.constant 4 : i32
      %mul3A_76 = arith.muli %mul3A_75, %scan3A_54 : i32
      %add3A_77 = arith.constant 1 : i32
      %add3A_78 = arith.addi %mul3A_76, %add3A_77 : i32
      %dma_wait3A_79 = arith.constant 0 : i32
      %dma_wait3A_80 = tpu.memref_slice %arg6[%add3A_78, %dma_wait3A_79] : memref<80x125xi32, #tpu.memory_space<vmem>> -> memref<1x125xi32, #tpu.memory_space<vmem>>
      %dma_wait3A_81 = tpu.memref_squeeze %dma_wait3A_80 : memref<1x125xi32, #tpu.memory_space<vmem>> -> memref<125xi32, #tpu.memory_space<vmem>>
      %dma_wait3A_82 = arith.constant 0 : i32
      %dma_wait3A_83 = arith.constant 0 : i32
      %dma_wait3A_84 = tpu.memref_slice %arg2[%dma_wait3A_82, %dma_wait3A_83] : memref<10240x80xbf16, #tpu.memory_space<hbm>> -> memref<10240x80xbf16, #tpu.memory_space<hbm>>
      tpu.wait_indirect_dma semaphore(%arg14 : memref<!tpu.dma_semaphore, #tpu.memory_space<semaphore_mem>>) src(%dma_wait3A_84 : memref<10240x80xbf16, #tpu.memory_space<hbm>>) dst(%arg9 : memref<125x80xbf16, #tpu.memory_space<vmem>>)
      %dma_start3A_85 = arith.constant 0 : i32
      %dma_start3A_86 = tpu.memref_slice %arg7[%add3A_78, %dma_start3A_85] : memref<80x125xi32, #tpu.memory_space<vmem>> -> memref<1x125xi32, #tpu.memory_space<vmem>>
      %dma_start3A_87 = tpu.memref_squeeze %dma_start3A_86 : memref<1x125xi32, #tpu.memory_space<vmem>> -> memref<125xi32, #tpu.memory_space<vmem>>
      %dma_start3A_88 = arith.constant 0 : i32
      %dma_start3A_89 = arith.constant 0 : i32
      %dma_start3A_90 = tpu.memref_slice %arg12[%dma_start3A_88, %dma_start3A_89] : memref<10240x80xbf16, #tpu.memory_space<vmem_shared>> -> memref<10240x80xbf16, #tpu.memory_space<vmem_shared>>
      tpu.enqueue_indirect_dma source(%arg9 : memref<125x80xbf16, #tpu.memory_space<vmem>>) target(%dma_start3A_90 : memref<10240x80xbf16, #tpu.memory_space<vmem_shared>>) offsets(%dma_start3A_87 : memref<125xi32, #tpu.memory_space<vmem>>) semaphore(%arg18 : memref<!tpu.dma_semaphore, #tpu.memory_space<semaphore_mem>>) {add = true}
      %add3A_91 = arith.constant 2 : i32
      %add3A_92 = arith.addi %add3A_78, %add3A_91 : i32
      %lt3A_93 = arith.constant 80 : i32
      %lt3A_94 = arith.cmpi slt, %add3A_92, %lt3A_93 : i32
      %convert_element_type3A_95 = arith.extui %lt3A_94 : i1 to i32
      %cond3A_96 = arith.constant 0 : i32
      %cond3A_97 = arith.cmpi ne, %convert_element_type3A_95, %cond3A_96 : i32
      scf.if %cond3A_97 {
        %ge3A = arith.constant 2 : i32
        %ge3A_144 = arith.cmpi sge, %add3A_78, %ge3A : i32
        %convert_element_type3A_145 = arith.extui %ge3A_144 : i1 to i32
        %cond3A_146 = arith.constant 0 : i32
        %cond3A_147 = arith.cmpi ne, %convert_element_type3A_145, %cond3A_146 : i32
        scf.if %cond3A_147 {
          %sub3A = arith.constant 2 : i32
          %sub3A_156 = arith.subi %add3A_78, %sub3A : i32
          %dma_wait3A_157 = arith.constant 0 : i32
          %dma_wait3A_158 = tpu.memref_slice %arg7[%sub3A_156, %dma_wait3A_157] : memref<80x125xi32, #tpu.memory_space<vmem>> -> memref<1x125xi32, #tpu.memory_space<vmem>>
          %dma_wait3A_159 = tpu.memref_squeeze %dma_wait3A_158 : memref<1x125xi32, #tpu.memory_space<vmem>> -> memref<125xi32, #tpu.memory_space<vmem>>
          %dma_wait3A_160 = arith.constant 0 : i32
          %dma_wait3A_161 = arith.constant 0 : i32
          %dma_wait3A_162 = tpu.memref_slice %arg12[%dma_wait3A_160, %dma_wait3A_161] : memref<10240x80xbf16, #tpu.memory_space<vmem_shared>> -> memref<10240x80xbf16, #tpu.memory_space<vmem_shared>>
          tpu.wait_indirect_dma semaphore(%arg20 : memref<!tpu.dma_semaphore, #tpu.memory_space<semaphore_mem>>) src(%arg11 : memref<125x80xbf16, #tpu.memory_space<vmem>>) dst(%dma_wait3A_162 : memref<10240x80xbf16, #tpu.memory_space<vmem_shared>>)
        } else {
        }
        %add3A_148 = arith.constant 2 : i32
        %add3A_149 = arith.addi %add3A_78, %add3A_148 : i32
        %dma_start3A_150 = arith.constant 0 : i32
        %dma_start3A_151 = tpu.memref_slice %arg6[%add3A_149, %dma_start3A_150] : memref<80x125xi32, #tpu.memory_space<vmem>> -> memref<1x125xi32, #tpu.memory_space<vmem>>
        %dma_start3A_152 = tpu.memref_squeeze %dma_start3A_151 : memref<1x125xi32, #tpu.memory_space<vmem>> -> memref<125xi32, #tpu.memory_space<vmem>>
        %dma_start3A_153 = arith.constant 0 : i32
        %dma_start3A_154 = arith.constant 0 : i32
        %dma_start3A_155 = tpu.memref_slice %arg2[%dma_start3A_153, %dma_start3A_154] : memref<10240x80xbf16, #tpu.memory_space<hbm>> -> memref<10240x80xbf16, #tpu.memory_space<hbm>>
        tpu.enqueue_indirect_dma source(%dma_start3A_155 : memref<10240x80xbf16, #tpu.memory_space<hbm>>) target(%arg11 : memref<125x80xbf16, #tpu.memory_space<vmem>>) offsets(%dma_start3A_152 : memref<125xi32, #tpu.memory_space<vmem>>) semaphore(%arg16 : memref<!tpu.dma_semaphore, #tpu.memory_space<semaphore_mem>>)
      } else {
      }
      %mul3A_98 = arith.constant 4 : i32
      %mul3A_99 = arith.muli %mul3A_98, %scan3A_54 : i32
      %add3A_100 = arith.constant 2 : i32
      %add3A_101 = arith.addi %mul3A_99, %add3A_100 : i32
      %dma_wait3A_102 = arith.constant 0 : i32
      %dma_wait3A_103 = tpu.memref_slice %arg6[%add3A_101, %dma_wait3A_102] : memref<80x125xi32, #tpu.memory_space<vmem>> -> memref<1x125xi32, #tpu.memory_space<vmem>>
      %dma_wait3A_104 = tpu.memref_squeeze %dma_wait3A_103 : memref<1x125xi32, #tpu.memory_space<vmem>> -> memref<125xi32, #tpu.memory_space<vmem>>
      %dma_wait3A_105 = arith.constant 0 : i32
      %dma_wait3A_106 = arith.constant 0 : i32
      %dma_wait3A_107 = tpu.memref_slice %arg2[%dma_wait3A_105, %dma_wait3A_106] : memref<10240x80xbf16, #tpu.memory_space<hbm>> -> memref<10240x80xbf16, #tpu.memory_space<hbm>>
      tpu.wait_indirect_dma semaphore(%arg15 : memref<!tpu.dma_semaphore, #tpu.memory_space<semaphore_mem>>) src(%dma_wait3A_107 : memref<10240x80xbf16, #tpu.memory_space<hbm>>) dst(%arg10 : memref<125x80xbf16, #tpu.memory_space<vmem>>)
      %dma_start3A_108 = arith.constant 0 : i32
      %dma_start3A_109 = tpu.memref_slice %arg7[%add3A_101, %dma_start3A_108] : memref<80x125xi32, #tpu.memory_space<vmem>> -> memref<1x125xi32, #tpu.memory_space<vmem>>
      %dma_start3A_110 = tpu.memref_squeeze %dma_start3A_109 : memref<1x125xi32, #tpu.memory_space<vmem>> -> memref<125xi32, #tpu.memory_space<vmem>>
      %dma_start3A_111 = arith.constant 0 : i32
      %dma_start3A_112 = arith.constant 0 : i32
      %dma_start3A_113 = tpu.memref_slice %arg12[%dma_start3A_111, %dma_start3A_112] : memref<10240x80xbf16, #tpu.memory_space<vmem_shared>> -> memref<10240x80xbf16, #tpu.memory_space<vmem_shared>>
      tpu.enqueue_indirect_dma source(%arg10 : memref<125x80xbf16, #tpu.memory_space<vmem>>) target(%dma_start3A_113 : memref<10240x80xbf16, #tpu.memory_space<vmem_shared>>) offsets(%dma_start3A_110 : memref<125xi32, #tpu.memory_space<vmem>>) semaphore(%arg19 : memref<!tpu.dma_semaphore, #tpu.memory_space<semaphore_mem>>) {add = true}
      %add3A_114 = arith.constant 2 : i32
      %add3A_115 = arith.addi %add3A_101, %add3A_114 : i32
      %lt3A_116 = arith.constant 80 : i32
      %lt3A_117 = arith.cmpi slt, %add3A_115, %lt3A_116 : i32
      %convert_element_type3A_118 = arith.extui %lt3A_117 : i1 to i32
      %cond3A_119 = arith.constant 0 : i32
      %cond3A_120 = arith.cmpi ne, %convert_element_type3A_118, %cond3A_119 : i32
      scf.if %cond3A_120 {
        %ge3A = arith.constant 2 : i32
        %ge3A_144 = arith.cmpi sge, %add3A_101, %ge3A : i32
        %convert_element_type3A_145 = arith.extui %ge3A_144 : i1 to i32
        %cond3A_146 = arith.constant 0 : i32
        %cond3A_147 = arith.cmpi ne, %convert_element_type3A_145, %cond3A_146 : i32
        scf.if %cond3A_147 {
          %sub3A = arith.constant 2 : i32
          %sub3A_156 = arith.subi %add3A_101, %sub3A : i32
          %dma_wait3A_157 = arith.constant 0 : i32
          %dma_wait3A_158 = tpu.memref_slice %arg7[%sub3A_156, %dma_wait3A_157] : memref<80x125xi32, #tpu.memory_space<vmem>> -> memref<1x125xi32, #tpu.memory_space<vmem>>
          %dma_wait3A_159 = tpu.memref_squeeze %dma_wait3A_158 : memref<1x125xi32, #tpu.memory_space<vmem>> -> memref<125xi32, #tpu.memory_space<vmem>>
          %dma_wait3A_160 = arith.constant 0 : i32
          %dma_wait3A_161 = arith.constant 0 : i32
          %dma_wait3A_162 = tpu.memref_slice %arg12[%dma_wait3A_160, %dma_wait3A_161] : memref<10240x80xbf16, #tpu.memory_space<vmem_shared>> -> memref<10240x80xbf16, #tpu.memory_space<vmem_shared>>
          tpu.wait_indirect_dma semaphore(%arg17 : memref<!tpu.dma_semaphore, #tpu.memory_space<semaphore_mem>>) src(%arg8 : memref<125x80xbf16, #tpu.memory_space<vmem>>) dst(%dma_wait3A_162 : memref<10240x80xbf16, #tpu.memory_space<vmem_shared>>)
        } else {
        }
        %add3A_148 = arith.constant 2 : i32
        %add3A_149 = arith.addi %add3A_101, %add3A_148 : i32
        %dma_start3A_150 = arith.constant 0 : i32
        %dma_start3A_151 = tpu.memref_slice %arg6[%add3A_149, %dma_start3A_150] : memref<80x125xi32, #tpu.memory_space<vmem>> -> memref<1x125xi32, #tpu.memory_space<vmem>>
        %dma_start3A_152 = tpu.memref_squeeze %dma_start3A_151 : memref<1x125xi32, #tpu.memory_space<vmem>> -> memref<125xi32, #tpu.memory_space<vmem>>
        %dma_start3A_153 = arith.constant 0 : i32
        %dma_start3A_154 = arith.constant 0 : i32
        %dma_start3A_155 = tpu.memref_slice %arg2[%dma_start3A_153, %dma_start3A_154] : memref<10240x80xbf16, #tpu.memory_space<hbm>> -> memref<10240x80xbf16, #tpu.memory_space<hbm>>
        tpu.enqueue_indirect_dma source(%dma_start3A_155 : memref<10240x80xbf16, #tpu.memory_space<hbm>>) target(%arg8 : memref<125x80xbf16, #tpu.memory_space<vmem>>) offsets(%dma_start3A_152 : memref<125xi32, #tpu.memory_space<vmem>>) semaphore(%arg13 : memref<!tpu.dma_semaphore, #tpu.memory_space<semaphore_mem>>)
      } else {
      }
      %mul3A_121 = arith.constant 4 : i32
      %mul3A_122 = arith.muli %mul3A_121, %scan3A_54 : i32
      %add3A_123 = arith.constant 3 : i32
      %add3A_124 = arith.addi %mul3A_122, %add3A_123 : i32
      %dma_wait3A_125 = arith.constant 0 : i32
      %dma_wait3A_126 = tpu.memref_slice %arg6[%add3A_124, %dma_wait3A_125] : memref<80x125xi32, #tpu.memory_space<vmem>> -> memref<1x125xi32, #tpu.memory_space<vmem>>
      %dma_wait3A_127 = tpu.memref_squeeze %dma_wait3A_126 : memref<1x125xi32, #tpu.memory_space<vmem>> -> memref<125xi32, #tpu.memory_space<vmem>>
      %dma_wait3A_128 = arith.constant 0 : i32
      %dma_wait3A_129 = arith.constant 0 : i32
      %dma_wait3A_130 = tpu.memref_slice %arg2[%dma_wait3A_128, %dma_wait3A_129] : memref<10240x80xbf16, #tpu.memory_space<hbm>> -> memref<10240x80xbf16, #tpu.memory_space<hbm>>
      tpu.wait_indirect_dma semaphore(%arg16 : memref<!tpu.dma_semaphore, #tpu.memory_space<semaphore_mem>>) src(%dma_wait3A_130 : memref<10240x80xbf16, #tpu.memory_space<hbm>>) dst(%arg11 : memref<125x80xbf16, #tpu.memory_space<vmem>>)
      %dma_start3A_131 = arith.constant 0 : i32
      %dma_start3A_132 = tpu.memref_slice %arg7[%add3A_124, %dma_start3A_131] : memref<80x125xi32, #tpu.memory_space<vmem>> -> memref<1x125xi32, #tpu.memory_space<vmem>>
      %dma_start3A_133 = tpu.memref_squeeze %dma_start3A_132 : memref<1x125xi32, #tpu.memory_space<vmem>> -> memref<125xi32, #tpu.memory_space<vmem>>
      %dma_start3A_134 = arith.constant 0 : i32
      %dma_start3A_135 = arith.constant 0 : i32
      %dma_start3A_136 = tpu.memref_slice %arg12[%dma_start3A_134, %dma_start3A_135] : memref<10240x80xbf16, #tpu.memory_space<vmem_shared>> -> memref<10240x80xbf16, #tpu.memory_space<vmem_shared>>
      tpu.enqueue_indirect_dma source(%arg11 : memref<125x80xbf16, #tpu.memory_space<vmem>>) target(%dma_start3A_136 : memref<10240x80xbf16, #tpu.memory_space<vmem_shared>>) offsets(%dma_start3A_133 : memref<125xi32, #tpu.memory_space<vmem>>) semaphore(%arg20 : memref<!tpu.dma_semaphore, #tpu.memory_space<semaphore_mem>>) {add = true}
      %add3A_137 = arith.constant 2 : i32
      %add3A_138 = arith.addi %add3A_124, %add3A_137 : i32
      %lt3A_139 = arith.constant 80 : i32
      %lt3A_140 = arith.cmpi slt, %add3A_138, %lt3A_139 : i32
      %convert_element_type3A_141 = arith.extui %lt3A_140 : i1 to i32
      %cond3A_142 = arith.constant 0 : i32
      %cond3A_143 = arith.cmpi ne, %convert_element_type3A_141, %cond3A_142 : i32
      scf.if %cond3A_143 {
        %ge3A = arith.constant 2 : i32
        %ge3A_144 = arith.cmpi sge, %add3A_124, %ge3A : i32
        %convert_element_type3A_145 = arith.extui %ge3A_144 : i1 to i32
        %cond3A_146 = arith.constant 0 : i32
        %cond3A_147 = arith.cmpi ne, %convert_element_type3A_145, %cond3A_146 : i32
        scf.if %cond3A_147 {
          %sub3A = arith.constant 2 : i32
          %sub3A_156 = arith.subi %add3A_124, %sub3A : i32
          %dma_wait3A_157 = arith.constant 0 : i32
          %dma_wait3A_158 = tpu.memref_slice %arg7[%sub3A_156, %dma_wait3A_157] : memref<80x125xi32, #tpu.memory_space<vmem>> -> memref<1x125xi32, #tpu.memory_space<vmem>>
          %dma_wait3A_159 = tpu.memref_squeeze %dma_wait3A_158 : memref<1x125xi32, #tpu.memory_space<vmem>> -> memref<125xi32, #tpu.memory_space<vmem>>
          %dma_wait3A_160 = arith.constant 0 : i32
          %dma_wait3A_161 = arith.constant 0 : i32
          %dma_wait3A_162 = tpu.memref_slice %arg12[%dma_wait3A_160, %dma_wait3A_161] : memref<10240x80xbf16, #tpu.memory_space<vmem_shared>> -> memref<10240x80xbf16, #tpu.memory_space<vmem_shared>>
          tpu.wait_indirect_dma semaphore(%arg18 : memref<!tpu.dma_semaphore, #tpu.memory_space<semaphore_mem>>) src(%arg9 : memref<125x80xbf16, #tpu.memory_space<vmem>>) dst(%dma_wait3A_162 : memref<10240x80xbf16, #tpu.memory_space<vmem_shared>>)
        } else {
        }
        %add3A_148 = arith.constant 2 : i32
        %add3A_149 = arith.addi %add3A_124, %add3A_148 : i32
        %dma_start3A_150 = arith.constant 0 : i32
        %dma_start3A_151 = tpu.memref_slice %arg6[%add3A_149, %dma_start3A_150] : memref<80x125xi32, #tpu.memory_space<vmem>> -> memref<1x125xi32, #tpu.memory_space<vmem>>
        %dma_start3A_152 = tpu.memref_squeeze %dma_start3A_151 : memref<1x125xi32, #tpu.memory_space<vmem>> -> memref<125xi32, #tpu.memory_space<vmem>>
        %dma_start3A_153 = arith.constant 0 : i32
        %dma_start3A_154 = arith.constant 0 : i32
        %dma_start3A_155 = tpu.memref_slice %arg2[%dma_start3A_153, %dma_start3A_154] : memref<10240x80xbf16, #tpu.memory_space<hbm>> -> memref<10240x80xbf16, #tpu.memory_space<hbm>>
        tpu.enqueue_indirect_dma source(%dma_start3A_155 : memref<10240x80xbf16, #tpu.memory_space<hbm>>) target(%arg9 : memref<125x80xbf16, #tpu.memory_space<vmem>>) offsets(%dma_start3A_152 : memref<125xi32, #tpu.memory_space<vmem>>) semaphore(%arg14 : memref<!tpu.dma_semaphore, #tpu.memory_space<semaphore_mem>>)
      } else {
      }
    }
    %scan3A_21 = arith.constant 20 : i32
    %dma_wait3A = arith.constant 76 : i32
    %dma_wait3A_22 = arith.constant 0 : i32
    %dma_wait3A_23 = tpu.memref_slice %arg7[%dma_wait3A, %dma_wait3A_22] : memref<80x125xi32, #tpu.memory_space<vmem>> -> memref<1x125xi32, #tpu.memory_space<vmem>>
    %dma_wait3A_24 = tpu.memref_squeeze %dma_wait3A_23 : memref<1x125xi32, #tpu.memory_space<vmem>> -> memref<125xi32, #tpu.memory_space<vmem>>
    %dma_wait3A_25 = arith.constant 0 : i32
    %dma_wait3A_26 = arith.constant 0 : i32
    %dma_wait3A_27 = tpu.memref_slice %arg12[%dma_wait3A_25, %dma_wait3A_26] : memref<10240x80xbf16, #tpu.memory_space<vmem_shared>> -> memref<10240x80xbf16, #tpu.memory_space<vmem_shared>>
    tpu.wait_indirect_dma semaphore(%arg17 : memref<!tpu.dma_semaphore, #tpu.memory_space<semaphore_mem>>) src(%arg8 : memref<125x80xbf16, #tpu.memory_space<vmem>>) dst(%dma_wait3A_27 : memref<10240x80xbf16, #tpu.memory_space<vmem_shared>>)
    %dma_wait3A_28 = arith.constant 77 : i32
    %dma_wait3A_29 = arith.constant 0 : i32
    %dma_wait3A_30 = tpu.memref_slice %arg7[%dma_wait3A_28, %dma_wait3A_29] : memref<80x125xi32, #tpu.memory_space<vmem>> -> memref<1x125xi32, #tpu.memory_space<vmem>>
    %dma_wait3A_31 = tpu.memref_squeeze %dma_wait3A_30 : memref<1x125xi32, #tpu.memory_space<vmem>> -> memref<125xi32, #tpu.memory_space<vmem>>
    %dma_wait3A_32 = arith.constant 0 : i32
    %dma_wait3A_33 = arith.constant 0 : i32
    %dma_wait3A_34 = tpu.memref_slice %arg12[%dma_wait3A_32, %dma_wait3A_33] : memref<10240x80xbf16, #tpu.memory_space<vmem_shared>> -> memref<10240x80xbf16, #tpu.memory_space<vmem_shared>>
    tpu.wait_indirect_dma semaphore(%arg18 : memref<!tpu.dma_semaphore, #tpu.memory_space<semaphore_mem>>) src(%arg9 : memref<125x80xbf16, #tpu.memory_space<vmem>>) dst(%dma_wait3A_34 : memref<10240x80xbf16, #tpu.memory_space<vmem_shared>>)
    %dma_wait3A_35 = arith.constant 78 : i32
    %dma_wait3A_36 = arith.constant 0 : i32
    %dma_wait3A_37 = tpu.memref_slice %arg7[%dma_wait3A_35, %dma_wait3A_36] : memref<80x125xi32, #tpu.memory_space<vmem>> -> memref<1x125xi32, #tpu.memory_space<vmem>>
    %dma_wait3A_38 = tpu.memref_squeeze %dma_wait3A_37 : memref<1x125xi32, #tpu.memory_space<vmem>> -> memref<125xi32, #tpu.memory_space<vmem>>
    %dma_wait3A_39 = arith.constant 0 : i32
    %dma_wait3A_40 = arith.constant 0 : i32
    %dma_wait3A_41 = tpu.memref_slice %arg12[%dma_wait3A_39, %dma_wait3A_40] : memref<10240x80xbf16, #tpu.memory_space<vmem_shared>> -> memref<10240x80xbf16, #tpu.memory_space<vmem_shared>>
    tpu.wait_indirect_dma semaphore(%arg19 : memref<!tpu.dma_semaphore, #tpu.memory_space<semaphore_mem>>) src(%arg10 : memref<125x80xbf16, #tpu.memory_space<vmem>>) dst(%dma_wait3A_41 : memref<10240x80xbf16, #tpu.memory_space<vmem_shared>>)
    %dma_wait3A_42 = arith.constant 79 : i32
    %dma_wait3A_43 = arith.constant 0 : i32
    %dma_wait3A_44 = tpu.memref_slice %arg7[%dma_wait3A_42, %dma_wait3A_43] : memref<80x125xi32, #tpu.memory_space<vmem>> -> memref<1x125xi32, #tpu.memory_space<vmem>>
    %dma_wait3A_45 = tpu.memref_squeeze %dma_wait3A_44 : memref<1x125xi32, #tpu.memory_space<vmem>> -> memref<125xi32, #tpu.memory_space<vmem>>
    %dma_wait3A_46 = arith.constant 0 : i32
    %dma_wait3A_47 = arith.constant 0 : i32
    %dma_wait3A_48 = tpu.memref_slice %arg12[%dma_wait3A_46, %dma_wait3A_47] : memref<10240x80xbf16, #tpu.memory_space<vmem_shared>> -> memref<10240x80xbf16, #tpu.memory_space<vmem_shared>>
    tpu.wait_indirect_dma semaphore(%arg20 : memref<!tpu.dma_semaphore, #tpu.memory_space<semaphore_mem>>) src(%arg11 : memref<125x80xbf16, #tpu.memory_space<vmem>>) dst(%dma_wait3A_48 : memref<10240x80xbf16, #tpu.memory_space<vmem_shared>>)
    %barrier3A_49 = arith.constant 0 : index
    tpu.barrier barrier_id(%barrier3A_49)
    %mul3A_50 = arith.constant 640 : i32
    %mul3A_51 = arith.muli %arg1, %mul3A_50 : i32
    %mul3A_52 = arith.constant 640 : i32
    %mul3A_53 = arith.muli %arg1, %mul3A_52 : i32
    "tpu.region"() ({
      %run_scoped3A_54 = tpu.sem_alloc : memref<!tpu.dma_semaphore, #tpu.memory_space<semaphore_mem>>
      %dma_start3A_55 = arith.constant 0 : i32
      %dma_start3A_56 = tpu.memref_slice %arg5[%arg0, %mul3A_53, %dma_start3A_55] : memref<2x10240x80xbf16, #tpu.memory_space<hbm>> -> memref<1x640x80xbf16, #tpu.memory_space<hbm>>
      %dma_start3A_57 = tpu.memref_squeeze %dma_start3A_56 : memref<1x640x80xbf16, #tpu.memory_space<hbm>> -> memref<640x80xbf16, #tpu.memory_space<hbm>>
      %dma_start3A_58 = arith.constant 0 : i32
      %dma_start3A_59 = tpu.memref_slice %arg12[%mul3A_51, %dma_start3A_58] : memref<10240x80xbf16, #tpu.memory_space<vmem_shared>> -> memref<640x80xbf16, #tpu.memory_space<vmem_shared>>
      tpu.enqueue_dma source(%dma_start3A_59 : memref<640x80xbf16, #tpu.memory_space<vmem_shared>>) target(%dma_start3A_57 : memref<640x80xbf16, #tpu.memory_space<hbm>>) target_semaphore(%run_scoped3A_54 : memref<!tpu.dma_semaphore, #tpu.memory_space<semaphore_mem>>)
      %dma_wait3A_60 = arith.constant 0 : i32
      %dma_wait3A_61 = tpu.memref_slice %arg5[%arg0, %mul3A_53, %dma_wait3A_60] : memref<2x10240x80xbf16, #tpu.memory_space<hbm>> -> memref<1x640x80xbf16, #tpu.memory_space<hbm>>
      %dma_wait3A_62 = tpu.memref_squeeze %dma_wait3A_61 : memref<1x640x80xbf16, #tpu.memory_space<hbm>> -> memref<640x80xbf16, #tpu.memory_space<hbm>>
      %dma_wait3A_63 = arith.constant 0 : i32
      %dma_wait3A_64 = tpu.memref_slice %arg12[%mul3A_51, %dma_wait3A_63] : memref<10240x80xbf16, #tpu.memory_space<vmem_shared>> -> memref<640x80xbf16, #tpu.memory_space<vmem_shared>>
      tpu.wait_dma2 semaphore(%run_scoped3A_54 : memref<!tpu.dma_semaphore, #tpu.memory_space<semaphore_mem>>) src(%dma_wait3A_64 : memref<640x80xbf16, #tpu.memory_space<vmem_shared>>) dst(%dma_wait3A_62 : memref<640x80xbf16, #tpu.memory_space<hbm>>)
      tpu.yield
    }) : () -> ()
    return
  }
}

module attributes {stable_mosaic.version = 14 : i64} {
  func.func @_tc1_body(%arg0: i32, %arg1: memref<2000x128xf32, #tpu.memory_space<vmem>>, %arg2: memref<80x128xf32, #tpu.memory_space<vmem>>, %arg3: memref<2000x80xbf16, #tpu.memory_space<vmem>>) attributes {dimension_semantics = [#tpu.dimension_semantics<arbitrary>], iteration_bounds = array<i64: 5>, scalar_prefetch = 0 : i64, scratch_operands = 0 : i64, tpu.core_type = #tpu.core_type<tc>, window_params = [{transform_indices = @transform_0, window_bounds = array<i64: 2000, 128>}, {pipeline_mode = #tpu.pipeline_mode<synchronous>, transform_indices = @transform_1, window_bounds = array<i64: 80, 128>}, {transform_indices = @transform_2, window_bounds = array<i64: 2000, 80>}]} {
    %get3A = arith.constant 0 : index
    %get3A_0 = arith.constant 0 : index
    %get3A_1 = vector.load %arg1[%get3A, %get3A_0] : memref<2000x128xf32, #tpu.memory_space<vmem>>, vector<2000x128xf32>
    %get3A_2 = arith.constant 0 : index
    %get3A_3 = arith.constant 0 : index
    %get3A_4 = vector.load %arg2[%get3A_2, %get3A_3] : memref<80x128xf32, #tpu.memory_space<vmem>>, vector<80x128xf32>
    %dot_general3A = arith.constant dense<0.000000e+00> : vector<2000x80xf32>
    %dot_general3A_5 = tpu.matmul %get3A_1, %get3A_4, %dot_general3A {dimension_numbers = #tpu.dot_dimension_numbers<[1], [1], [0], [0], [0, 0, 1, 0], [], []>, precision = #tpu.contract_precision<fp32>, transpose_lhs_hint = false} : vector<2000x128xf32>, vector<80x128xf32>, vector<2000x80xf32> -> vector<2000x80xf32>
    %iota3A = tpu.iota {dimensions = array<i32: 1>} : vector<2000x80xi32>
    %eq3A = arith.constant 64 : i32
    %eq3A_6 = vector.broadcast %eq3A : i32 to vector<2000x80xi32>
    %eq3A_7 = arith.cmpi eq, %iota3A, %eq3A_6 : vector<2000x80xi32>
    %jit3A = arith.constant 1.000000e+00 : f32
    %jit3A_8 = arith.constant 0.000000e+00 : f32
    %broadcast_in_dim3A = vector.broadcast %jit3A : f32 to vector<2000x80xf32>
    %broadcast_in_dim3A_9 = vector.broadcast %jit3A_8 : f32 to vector<2000x80xf32>
    %select_n3A = arith.select %eq3A_7, %broadcast_in_dim3A, %broadcast_in_dim3A_9 : vector<2000x80xi1>, vector<2000x80xf32>
    %add3A = arith.addf %dot_general3A_5, %select_n3A : vector<2000x80xf32>
    %convert_element_type3A = arith.truncf %add3A : vector<2000x80xf32> to vector<2000x80xbf16>
    %swap3A = arith.constant 0 : index
    %swap3A_10 = arith.constant 0 : index
    %swap3A_11 = vector.load %arg3[%swap3A, %swap3A_10] : memref<2000x80xbf16, #tpu.memory_space<vmem>>, vector<2000x80xbf16>
    tpu.vector_store %arg3[%swap3A, %swap3A_10], %convert_element_type3A {strides = array<i32>} : memref<2000x80xbf16, #tpu.memory_space<vmem>>, vector<2000x80xbf16>,
    return
  }
  func.func @transform_0(%arg0: i32) -> (i32, i32) {
    %c0_i32 = arith.constant 0 : i32
    %c0_i32_0 = arith.constant 0 : i32
    return %arg0, %c0_i32 : i32, i32
  }
  func.func @transform_1(%arg0: i32) -> (i32, i32) {
    %c0_i32 = arith.constant 0 : i32
    %c0_i32_0 = arith.constant 0 : i32
    %c0_i32_1 = arith.constant 0 : i32
    return %c0_i32, %c0_i32_0 : i32, i32
  }
  func.func @transform_2(%arg0: i32) -> (i32, i32) {
    %c0_i32 = arith.constant 0 : i32
    %c0_i32_0 = arith.constant 0 : i32
    return %arg0, %c0_i32 : i32, i32
  }
}

module attributes {stable_mosaic.version = 14 : i64} {
  func.func @_tc1z_body(%arg0: i32, %arg1: memref<2000x128xf32, #tpu.memory_space<vmem>>, %arg2: memref<64x128xf32, #tpu.memory_space<vmem>>, %arg3: memref<2000x64xf32, #tpu.memory_space<vmem>>) attributes {dimension_semantics = [#tpu.dimension_semantics<arbitrary>], iteration_bounds = array<i64: 5>, scalar_prefetch = 0 : i64, scratch_operands = 0 : i64, tpu.core_type = #tpu.core_type<tc>, window_params = [{transform_indices = @transform_0, window_bounds = array<i64: 2000, 128>}, {pipeline_mode = #tpu.pipeline_mode<synchronous>, transform_indices = @transform_1, window_bounds = array<i64: 64, 128>}, {transform_indices = @transform_2, window_bounds = array<i64: 2000, 64>}]} {
    %get3A = arith.constant 0 : index
    %get3A_0 = arith.constant 0 : index
    %get3A_1 = vector.load %arg1[%get3A, %get3A_0] : memref<2000x128xf32, #tpu.memory_space<vmem>>, vector<2000x128xf32>
    %get3A_2 = arith.constant 0 : index
    %get3A_3 = arith.constant 0 : index
    %get3A_4 = vector.load %arg2[%get3A_2, %get3A_3] : memref<64x128xf32, #tpu.memory_space<vmem>>, vector<64x128xf32>
    %dot_general3A = arith.constant dense<0.000000e+00> : vector<2000x64xf32>
    %dot_general3A_5 = tpu.matmul %get3A_1, %get3A_4, %dot_general3A {dimension_numbers = #tpu.dot_dimension_numbers<[1], [1], [0], [0], [0, 0, 1, 0], [], []>, precision = #tpu.contract_precision<fp32>, transpose_lhs_hint = false} : vector<2000x128xf32>, vector<64x128xf32>, vector<2000x64xf32> -> vector<2000x64xf32>
    %swap3A = arith.constant 0 : index
    %swap3A_6 = arith.constant 0 : index
    %swap3A_7 = vector.load %arg3[%swap3A, %swap3A_6] : memref<2000x64xf32, #tpu.memory_space<vmem>>, vector<2000x64xf32>
    tpu.vector_store %arg3[%swap3A, %swap3A_6], %dot_general3A_5 {strides = array<i32>} : memref<2000x64xf32, #tpu.memory_space<vmem>>, vector<2000x64xf32>,
    return
  }
  func.func @transform_0(%arg0: i32) -> (i32, i32) {
    %c0_i32 = arith.constant 0 : i32
    %c0_i32_0 = arith.constant 0 : i32
    return %arg0, %c0_i32 : i32, i32
  }
  func.func @transform_1(%arg0: i32) -> (i32, i32) {
    %c0_i32 = arith.constant 0 : i32
    %c0_i32_0 = arith.constant 0 : i32
    %c0_i32_1 = arith.constant 0 : i32
    return %c0_i32, %c0_i32_0 : i32, i32
  }
  func.func @transform_2(%arg0: i32) -> (i32, i32) {
    %c0_i32 = arith.constant 0 : i32
    %c0_i32_0 = arith.constant 0 : i32
    return %arg0, %c0_i32 : i32, i32
  }
}

module attributes {stable_mosaic.version = 14 : i64} {
  func.func @_tc2_body(%arg0: i32, %arg1: memref<2x2000x80xbf16, #tpu.memory_space<vmem>>, %arg2: memref<2000x64xf32, #tpu.memory_space<vmem>>, %arg3: memref<1x64xf32, #tpu.memory_space<vmem>>, %arg4: memref<2000x1xi32, #tpu.memory_space<vmem>>, %arg5: memref<100x64xf32, #tpu.memory_space<vmem>>, %arg6: memref<2000x64xf32, #tpu.memory_space<vmem>>, %arg7: memref<2000x100xf32, #tpu.memory_space<vmem>>) attributes {dimension_semantics = [#tpu.dimension_semantics<arbitrary>], iteration_bounds = array<i64: 5>, scalar_prefetch = 0 : i64, scratch_operands = 0 : i64, tpu.core_type = #tpu.core_type<tc>, window_params = [{transform_indices = @transform_0, window_bounds = array<i64: 2, 2000, 80>}, {transform_indices = @transform_1, window_bounds = array<i64: 2000, 64>}, {pipeline_mode = #tpu.pipeline_mode<synchronous>, transform_indices = @transform_2, window_bounds = array<i64: 1, 64>}, {transform_indices = @transform_3, window_bounds = array<i64: 2000, 1>}, {pipeline_mode = #tpu.pipeline_mode<synchronous>, transform_indices = @transform_4, window_bounds = array<i64: 100, 64>}, {transform_indices = @transform_5, window_bounds = array<i64: 2000, 64>}, {transform_indices = @transform_6, window_bounds = array<i64: 2000, 100>}]} {
    %get3A = arith.constant 0 : index
    %get3A_0 = arith.constant 0 : index
    %get3A_1 = arith.constant 0 : index
    %get3A_2 = vector.load %arg1[%get3A, %get3A_0, %get3A_1] : memref<2x2000x80xbf16, #tpu.memory_space<vmem>>, vector<1x2000x80xbf16>
    %get3A_3 = vector.shape_cast %get3A_2 : vector<1x2000x80xbf16> to vector<2000x80xbf16>
    %convert_element_type3A = arith.extf %get3A_3 : vector<2000x80xbf16> to vector<2000x80xf32>
    %get3A_4 = arith.constant 1 : index
    %get3A_5 = arith.constant 0 : index
    %get3A_6 = arith.constant 0 : index
    %get3A_7 = vector.load %arg1[%get3A_4, %get3A_5, %get3A_6] : memref<2x2000x80xbf16, #tpu.memory_space<vmem>>, vector<1x2000x80xbf16>
    %get3A_8 = vector.shape_cast %get3A_7 : vector<1x2000x80xbf16> to vector<2000x80xbf16>
    %convert_element_type3A_9 = arith.extf %get3A_8 : vector<2000x80xbf16> to vector<2000x80xf32>
    %add3A = arith.addf %convert_element_type3A, %convert_element_type3A_9 : vector<2000x80xf32>
    %iota3A = tpu.iota {dimensions = array<i32: 1>} : vector<2000x80xi32>
    %eq3A = arith.constant 64 : i32
    %eq3A_10 = vector.broadcast %eq3A : i32 to vector<2000x80xi32>
    %eq3A_11 = arith.cmpi eq, %iota3A, %eq3A_10 : vector<2000x80xi32>
    %jit3A = arith.constant 0.000000e+00 : f32
    %broadcast_in_dim3A = vector.broadcast %jit3A : f32 to vector<2000x80xf32>
    %select_n3A = arith.select %eq3A_11, %add3A, %broadcast_in_dim3A : vector<2000x80xi1>, vector<2000x80xf32>
    %reduce_sum3A = arith.constant dense<0.000000e+00> : vector<2000xf32>
    %reduce_sum3A_12 = vector.multi_reduction <add>, %select_n3A, %reduce_sum3A [1] : vector<2000x80xf32> to vector<2000xf32>
    %broadcast_in_dim3A_13 = vector.shape_cast %reduce_sum3A_12 : vector<2000xf32> to vector<2000x1xf32>
    %slice3A = vector.extract_strided_slice %add3A {offsets = [0, 0], sizes = [2000, 64], strides = [1, 1]} : vector<2000x80xf32> to vector<2000x64xf32>
    %max3A = arith.constant 1.000000e+00 : f32
    %max3A_14 = vector.broadcast %max3A : f32 to vector<2000x1xf32>
    %max3A_15 = arith.maximumf %broadcast_in_dim3A_13, %max3A_14 : vector<2000x1xf32>
    %div3A = vector.broadcast %max3A_15 : vector<2000x1xf32> to vector<2000x64xf32>
    %div3A_16 = arith.divf %slice3A, %div3A : vector<2000x64xf32>
    %get3A_17 = arith.constant 0 : index
    %get3A_18 = arith.constant 0 : index
    %get3A_19 = vector.load %arg3[%get3A_17, %get3A_18] : memref<1x64xf32, #tpu.memory_space<vmem>>, vector<1x64xf32>
    %add3A_20 = vector.broadcast %get3A_19 : vector<1x64xf32> to vector<2000x64xf32>
    %add3A_21 = arith.addf %div3A_16, %add3A_20 : vector<2000x64xf32>
    %get3A_22 = arith.constant 0 : index
    %get3A_23 = arith.constant 0 : index
    %get3A_24 = vector.load %arg2[%get3A_22, %get3A_23] : memref<2000x64xf32, #tpu.memory_space<vmem>>, vector<2000x64xf32>
    %add3A_25 = arith.addf %add3A_21, %get3A_24 : vector<2000x64xf32>
    %swap3A = arith.constant 0 : index
    %swap3A_26 = arith.constant 0 : index
    %swap3A_27 = vector.load %arg6[%swap3A, %swap3A_26] : memref<2000x64xf32, #tpu.memory_space<vmem>>, vector<2000x64xf32>
    tpu.vector_store %arg6[%swap3A, %swap3A_26], %add3A_25 {strides = array<i32>} : memref<2000x64xf32, #tpu.memory_space<vmem>>, vector<2000x64xf32>,
    %max3A_28 = arith.constant 0.000000e+00 : f32
    %max3A_29 = vector.broadcast %max3A_28 : f32 to vector<2000x64xf32>
    %max3A_30 = arith.maximumf %add3A_25, %max3A_29 : vector<2000x64xf32>
    %mul3A = arith.mulf %max3A_30, %max3A_30 : vector<2000x64xf32>
    %reduce_sum3A_31 = arith.constant dense<0.000000e+00> : vector<2000xf32>
    %reduce_sum3A_32 = vector.multi_reduction <add>, %mul3A, %reduce_sum3A_31 [1] : vector<2000x64xf32> to vector<2000xf32>
    %broadcast_in_dim3A_33 = vector.shape_cast %reduce_sum3A_32 : vector<2000xf32> to vector<2000x1xf32>
    %sqrt3A = math.sqrt %broadcast_in_dim3A_33 : vector<2000x1xf32>
    %max3A_34 = arith.constant 9.99999996E-13 : f32
    %max3A_35 = vector.broadcast %max3A_34 : f32 to vector<2000x1xf32>
    %max3A_36 = arith.maximumf %sqrt3A, %max3A_35 : vector<2000x1xf32>
    %div3A_37 = vector.broadcast %max3A_36 : vector<2000x1xf32> to vector<2000x64xf32>
    %div3A_38 = arith.divf %max3A_30, %div3A_37 : vector<2000x64xf32>
    %get3A_39 = arith.constant 0 : index
    %get3A_40 = arith.constant 0 : index
    %get3A_41 = vector.load %arg5[%get3A_39, %get3A_40] : memref<100x64xf32, #tpu.memory_space<vmem>>, vector<100x64xf32>
    %mul3A_42 = arith.mulf %get3A_41, %get3A_41 : vector<100x64xf32>
    %reduce_sum3A_43 = arith.constant dense<0.000000e+00> : vector<100xf32>
    %reduce_sum3A_44 = vector.multi_reduction <add>, %mul3A_42, %reduce_sum3A_43 [1] : vector<100x64xf32> to vector<100xf32>
    %broadcast_in_dim3A_45 = vector.shape_cast %reduce_sum3A_44 : vector<100xf32> to vector<100x1xf32>
    %sqrt3A_46 = math.sqrt %broadcast_in_dim3A_45 : vector<100x1xf32>
    %max3A_47 = arith.constant 9.99999996E-13 : f32
    %max3A_48 = vector.broadcast %max3A_47 : f32 to vector<100x1xf32>
    %max3A_49 = arith.maximumf %sqrt3A_46, %max3A_48 : vector<100x1xf32>
    %div3A_50 = vector.broadcast %max3A_49 : vector<100x1xf32> to vector<100x64xf32>
    %div3A_51 = arith.divf %get3A_41, %div3A_50 : vector<100x64xf32>
    %dot_general3A = arith.constant dense<0.000000e+00> : vector<2000x100xf32>
    %dot_general3A_52 = tpu.matmul %div3A_38, %div3A_51, %dot_general3A {dimension_numbers = #tpu.dot_dimension_numbers<[1], [1], [0], [0], [0, 0, 1, 0], [], []>, precision = #tpu.contract_precision<fp32>, transpose_lhs_hint = false} : vector<2000x64xf32>, vector<100x64xf32>, vector<2000x100xf32> -> vector<2000x100xf32>
    %mul3A_53 = arith.mulf %dot_general3A_52, %dot_general3A_52 : vector<2000x100xf32>
    %sub3A = arith.constant 1.000000e+00 : f32
    %sub3A_54 = vector.broadcast %sub3A : f32 to vector<2000x100xf32>
    %sub3A_55 = arith.subf %sub3A_54, %mul3A_53 : vector<2000x100xf32>
    %jit3A_56 = arith.constant 0.000000e+00 : f32
    %jit3A_57 = arith.constant 1.000000e+00 : f32
    %max3A_58 = vector.broadcast %jit3A_56 : f32 to vector<2000x100xf32>
    %max3A_59 = arith.maximumf %max3A_58, %sub3A_55 : vector<2000x100xf32>
    %min3A = vector.broadcast %jit3A_57 : f32 to vector<2000x100xf32>
    %min3A_60 = arith.minimumf %min3A, %max3A_59 : vector<2000x100xf32>
    %sqrt3A_61 = math.sqrt %min3A_60 : vector<2000x100xf32>
    %mul3A_62 = arith.constant 0.995004177 : f32
    %mul3A_63 = vector.broadcast %mul3A_62 : f32 to vector<2000x100xf32>
    %mul3A_64 = arith.mulf %dot_general3A_52, %mul3A_63 : vector<2000x100xf32>
    %mul3A_65 = arith.constant 0.0998334139 : f32
    %mul3A_66 = vector.broadcast %mul3A_65 : f32 to vector<2000x100xf32>
    %mul3A_67 = arith.mulf %sqrt3A_61, %mul3A_66 : vector<2000x100xf32>
    %sub3A_68 = arith.subf %mul3A_64, %mul3A_67 : vector<2000x100xf32>
    %gt3A = arith.constant -0.995004177 : f32
    %gt3A_69 = vector.broadcast %gt3A : f32 to vector<2000x100xf32>
    %gt3A_70 = arith.cmpf ogt, %dot_general3A_52, %gt3A_69 : vector<2000x100xf32>
    %sub3A_71 = arith.constant 0.0099833412 : f32
    %sub3A_72 = vector.broadcast %sub3A_71 : f32 to vector<2000x100xf32>
    %sub3A_73 = arith.subf %dot_general3A_52, %sub3A_72 : vector<2000x100xf32>
    %select_n3A_74 = arith.select %gt3A_70, %sub3A_68, %sub3A_73 : vector<2000x100xi1>, vector<2000x100xf32>
    %iota3A_75 = tpu.iota {dimensions = array<i32: 1>} : vector<2000x100xi32>
    %get3A_76 = arith.constant 0 : index
    %get3A_77 = arith.constant 0 : index
    %get3A_78 = vector.load %arg4[%get3A_76, %get3A_77] : memref<2000x1xi32, #tpu.memory_space<vmem>>, vector<2000x1xi32>
    %eq3A_79 = vector.broadcast %get3A_78 : vector<2000x1xi32> to vector<2000x100xi32>
    %eq3A_80 = arith.cmpi eq, %iota3A_75, %eq3A_79 : vector<2000x100xi32>
    %select_n3A_81 = arith.select %eq3A_80, %select_n3A_74, %dot_general3A_52 : vector<2000x100xi1>, vector<2000x100xf32>
    %mul3A_82 = arith.constant 6.400000e+01 : f32
    %mul3A_83 = vector.broadcast %mul3A_82 : f32 to vector<2000x100xf32>
    %mul3A_84 = arith.mulf %select_n3A_81, %mul3A_83 : vector<2000x100xf32>
    %swap3A_85 = arith.constant 0 : index
    %swap3A_86 = arith.constant 0 : index
    %swap3A_87 = vector.load %arg7[%swap3A_85, %swap3A_86] : memref<2000x100xf32, #tpu.memory_space<vmem>>, vector<2000x100xf32>
    tpu.vector_store %arg7[%swap3A_85, %swap3A_86], %mul3A_84 {strides = array<i32>} : memref<2000x100xf32, #tpu.memory_space<vmem>>, vector<2000x100xf32>,
    return
  }
  func.func @transform_0(%arg0: i32) -> (i32, i32, i32) {
    %c0_i32 = arith.constant 0 : i32
    %c0_i32_0 = arith.constant 0 : i32
    %c0_i32_1 = arith.constant 0 : i32
    return %c0_i32, %arg0, %c0_i32_0 : i32, i32, i32
  }
  func.func @transform_1(%arg0: i32) -> (i32, i32) {
    %c0_i32 = arith.constant 0 : i32
    %c0_i32_0 = arith.constant 0 : i32
    return %arg0, %c0_i32 : i32, i32
  }
  func.func @transform_2(%arg0: i32) -> (i32, i32) {
    %c0_i32 = arith.constant 0 : i32
    %c0_i32_0 = arith.constant 0 : i32
    %c0_i32_1 = arith.constant 0 : i32
    return %c0_i32, %c0_i32_0 : i32, i32
  }
  func.func @transform_3(%arg0: i32) -> (i32, i32) {
    %c0_i32 = arith.constant 0 : i32
    %c0_i32_0 = arith.constant 0 : i32
    return %arg0, %c0_i32 : i32, i32
  }
  func.func @transform_4(%arg0: i32) -> (i32, i32) {
    %c0_i32 = arith.constant 0 : i32
    %c0_i32_0 = arith.constant 0 : i32
    %c0_i32_1 = arith.constant 0 : i32
    return %c0_i32, %c0_i32_0 : i32, i32
  }
  func.func @transform_5(%arg0: i32) -> (i32, i32) {
    %c0_i32 = arith.constant 0 : i32
    %c0_i32_0 = arith.constant 0 : i32
    return %arg0, %c0_i32 : i32, i32
  }
  func.func @transform_6(%arg0: i32) -> (i32, i32) {
    %c0_i32 = arith.constant 0 : i32
    %c0_i32_0 = arith.constant 0 : i32
    return %arg0, %c0_i32 : i32, i32
  }
}

</mosaic_0001>

<sc_bundles>
// kernel: kernel.6.cloned.1.call-start
scs
__scs_entry_jumppad:
0x0: {  	(pc) =	sbr.rel $0x88, $3  }
0x1: {  	(tag) =	ssettag $0x0;
	lr =	simm.s32 $0x1  }
0x2: {  	[smem:$0x3F9A] =	sst lr;
	_ =	strace $0xD0000000  }
0x3: {  	_ = 	snop  }
0x4: {  	_ = 	snop  }
0x5: {  	_ = 	snop  }
0x6: {  	_ = 	snop  }
0x7: {  	_ = 	snop  }
__scs_overlays_trampoline_lowered:
0x8: {  	[smem:$0x3FA9] =	sst s0  }
0x9: {  	[smem:$0x3FAA] =	sst s1  }
0xa: {  	[smem:$0x3FAB] =	sst s2  }
0xb: {  	[smem:$0x3FAC] =	sst s3  }
0xc: {  	[smem:$0x3FAD] =	sst s4  }
0xd: {  	[smem:$0x3FAE] =	sst s5  }
0xe: {  	[smem:$0x3FAF] =	sst s6  }
0xf: {  	[smem:$0x3FB0] =	sst s7  }
0x10: {  	[smem:$0x3FB1] =	sst s8  }
0x11: {  	[smem:$0x3FB2] =	sst s9;
	s0 =	simm.s32 @!p0 $0x0  }
0x12: {  	s1 =	sld [smem:$0x3F98];
	s0 =	simm.s32 @p0 $0x1  }
0x13: {  	[smem:$0x3FB3] =	sst s0;
	s0 =	simm.s32 @!p1 $0x0  }
0x14: {  	s2 =	sld [smem:$0x3F97];
	s0 =	simm.s32 @p1 $0x1  }
0x15: {  	[smem:$0x3FB4] =	sst s0;
	s0 =	simm.s32 @!p2 $0x0  }
0x16: {  	s3 =	sld [smem:$0x3FDB];
	s0 =	simm.s32 @p2 $0x1  }
0x17: {  	s4 =	simm.s32 $0x1BF5;
	[smem:$0x3FB6] =	sst s0  }
0x18: {  	s0 =	sld [smem:$0x3F99];
	_ =	swait.ge [sflag:s4], $0x0  }
0x19: {  	s7 =	sld [smem:$0x3F9A]  }
0x1a: {  	s8 =	sadd.s32 $0xFFFFE003, lr  }
0x1b: {  	s9 =	sadd.s32 $0xFFFFFEF7, lr;
	s5 =	simm.s32 $0xFFFFFFFF;
	p2 =	slt.u32 s8, $0xFFFFF086  }
0x1c: {  	p1 =	slt.u32 s9, $0xF7A;
	s5 =	simm.s32 @!p2 $0x0  }
0x1d: {  	s5 =	simm.s32 @p1 $0x1;
	p0 =	seq.s32 s7, s2  }
0x1e: {  	s7 =	smul.u32 @!p0 $0xF7A, s2;
	p2 =	seq.s32 @!p0 s5, $0x0  }
0x1f: {  	s9 =	smul.u32 $0xF7A, s1;
	s8 =	simm.s32 @!p0 $0x1BF5;
	p2 =	por !p2, p0  }
0x20: {  	[sflag:s8] =	ssyncset.s32 @!p0 $0xFFFFF086;
	s6 =	sadd.s32 @!p0 s3, s7;
	s7 =	simm.s32 @!p0 $0x108  }
0x21: {  	s3 =	sadd.s32 s3, s9;
	s6 =	sadd.s32 @!p0 $0x88, s6;
	s7 =	simm.s32 @p2 $0x1082  }
0x22: {  	[simem:s7], [sflag:s8] =	dma.local @!p0 [hbm:s6], $0xF7A  }
0x23: {  	s9 =	sor.u32 $0xD0000000, s2;
	s6 =	simm.s32 $0x108;
	_ =	swait.ge @!p0 [sflag:s8], $0x0  }
0x24: {  	s3 =	sadd.s32 $0x88, s3;
	s6 =	simm.s32 @!p1 $0x1082;
	[sflag:s4] =	ssyncset.s32 $0xFFFFF086  }
0x25: {  	[simem:s6], [sflag:s4] =	dma.local [hbm:s3], $0xF7A  }
0x26: {  	[smem:$0x3F9A] =	sst s1;
	(tag) =	ssettag s2;
	_ =	strace s9  }
0x27: {  	s1 =	sld [smem:$0x3FAA]  }
0x28: {  	s2 =	sld [smem:$0x3FAB]  }
0x29: {  	s4 =	sld [smem:$0x3FAD]  }
0x2a: {  	p0 =	seq.s32 s5, $0x0;
	s5 =	sld [smem:$0x3FAE]  }
0x2b: {  	s6 =	sld [smem:$0x3FAF]  }
0x2c: {  	s7 =	sld [smem:$0x3FB0]  }
0x2d: {  	s3 =	simm.s32 $0x108;
	s8 =	sld [smem:$0x3FB1]  }
0x2e: {  	s3 =	simm.s32 @!p0 $0x1082;
	s9 =	sld [smem:$0x3FB2]  }
0x2f: {  	lr =	sadd.s32 s0, s3;
	s0 =	sld [smem:$0x3FA9]  }
0x30: {  	s3 =	sld [smem:$0x3FAC]  }
0x31: {  	[smem:$0x3FB5] =	sst s10  }
0x32: {  	s10 =	sld [smem:$0x3FB3];
	_ =	sdelay $0x3  }
0x33: {  	p0 =	seq.s32 s10, $0x1;
	s10 =	sld [smem:$0x3FB5];
	_ =	sdelay $0x3  }
0x34: {  	[smem:$0x3FB5] =	sst s10  }
0x35: {  	s10 =	sld [smem:$0x3FB4];
	_ =	sdelay $0x3  }
0x36: {  	p1 =	seq.s32 s10, $0x1;
	s10 =	sld [smem:$0x3FB5];
	_ =	sdelay $0x3  }
0x37: {  	[smem:$0x3FB5] =	sst s10  }
0x38: {  	s10 =	sld [smem:$0x3FB6]  }
0x39: {  	_ = 	snop;
	(pc) =	sbr.ind lr, $3  }
0x3a: {  	_ = 	snop  }
0x3b: {  	_ = 	snop  }
0x3c: {  	p2 =	seq.s32 s10, $0x1;
	s10 =	sld [smem:$0x3FB5]  }
0x3d: {  	_ =	shalt  }
0x3e: {  	_ =	shalt  }
0x3f: {  	_ =	shalt  }
0x40: {  	_ =	shalt  }
0x41: {  	_ =	shalt  }
0x42: {  	_ =	shalt  }
0x43: {  	_ =	shalt  }
0x44: {  	_ =	shalt  }
0x45: {  	_ =	shalt  }
0x46: {  	_ =	shalt  }
0x47: {  	_ =	shalt  }
0x48: {  	_ =	shalt  }
0x49: {  	_ =	shalt  }
0x4a: {  	_ =	shalt  }
0x4b: {  	_ =	shalt  }
0x4c: {  	_ =	shalt  }
0x4d: {  	_ =	shalt  }
0x4e: {  	_ =	shalt  }
0x4f: {  	_ =	shalt  }
0x50: {  	_ =	shalt  }
0x51: {  	_ =	shalt  }
0x52: {  	_ =	shalt  }
0x53: {  	_ =	shalt  }
0x54: {  	_ =	shalt  }
0x55: {  	_ =	shalt  }
0x56: {  	_ =	shalt  }
0x57: {  	_ =	shalt  }
0x58: {  	_ =	shalt  }
0x59: {  	_ =	shalt  }
0x5a: {  	_ =	shalt  }
0x5b: {  	_ =	shalt  }
0x5c: {  	_ =	shalt  }
0x5d: {  	_ =	shalt  }
0x5e: {  	_ =	shalt  }
0x5f: {  	_ =	shalt  }
0x60: {  	_ =	shalt  }
0x61: {  	_ =	shalt  }
0x62: {  	_ =	shalt  }
0x63: {  	_ =	shalt  }
0x64: {  	_ =	shalt  }
0x65: {  	_ =	shalt  }
0x66: {  	_ =	shalt  }
0x67: {  	_ =	shalt  }
0x68: {  	_ =	shalt  }
0x69: {  	_ =	shalt  }
0x6a: {  	_ =	shalt  }
0x6b: {  	_ =	shalt  }
0x6c: {  	_ =	shalt  }
0x6d: {  	_ =	shalt  }
0x6e: {  	_ =	shalt  }
0x6f: {  	_ =	shalt  }
0x70: {  	_ =	shalt  }
0x71: {  	_ =	shalt  }
0x72: {  	_ =	shalt  }
0x73: {  	_ =	shalt  }
0x74: {  	_ =	shalt  }
0x75: {  	_ =	shalt  }
0x76: {  	_ =	shalt  }
0x77: {  	_ =	shalt  }
0x78: {  	_ =	shalt  }
0x79: {  	_ =	shalt  }
0x7a: {  	_ =	shalt  }
0x7b: {  	_ =	shalt  }
0x7c: {  	_ =	shalt  }
0x7d: {  	_ =	shalt  }
0x7e: {  	_ =	shalt  }
0x7f: {  	_ =	shalt  }
0x80: {  	_ =	shalt  }
0x81: {  	_ =	shalt  }
0x82: {  	_ =	shalt  }
0x83: {  	_ =	shalt  }
0x84: {  	_ =	shalt  }
0x85: {  	_ =	shalt  }
0x86: {  	_ =	shalt  }
0x87: {  	_ =	shalt  }
.Lfunc_end0:
.L_simem_size_0:
called_computation_lowered:
.L_overlay_start_0:
0x88: {  	s2 =	sld [smem:$0x3FD9]  }
0x89: {  	s3 =	sld [smem:$0x3FFE];
	_ =	sdelay $0x1  }
0x8a: {  	s1 =	srdreg.scid  }
0x8b: {  	s0 =	sand.u32 $0x1, s1  }
0x8c: {  	s14 =	sshll.u32 s0, $0xA;
	s2 =	sadd.s32 s3, s2  }
0x8d: {  	s2 =	sadd.s32 s2, s14  }
0x8e: {  	[smem:$0x3FC1] =	sst s2  }
0x8f: {  	_ = 	snop  }
0x90: {  	s2 =	sld [smem:$0x3FD0];
	_ =	sdelay $0x2  }
0x91: {  	s15 =	simm.s32 $0xA;
	s4 =	simm.s32 $0x10  }
0x92: {  	[smem:s4], [sflag:s15] =	dma.local [hbm:s2], $0x1  }
0x93: {  	_ =	swait.eq [sflag:s15], $0x1  }
0x94: {  	[sflag:s15] =	ssyncset.done $0x0  }
0x95: {  	s16 =	sld [smem:$0x10];
	[sflag:s15] =	ssyncadd.s32 $0xFFFFFFFF  }
0x96: {  	s17 =	sld [smem:$0x11];
	(tm) =	ssettm $0x1  }
0x97: {  	s18 =	sld [smem:$0x3FFB];
	_ =	sdelay $0x3  }
0x98: {  	_ =	strace s18  }
0x99: {  	s4 =	sld [smem:$0x3FFC];
	_ =	sdelay $0x3  }
0x9a: {  	_ =	strace s4  }
0x9b: {  	s4 =	sld [smem:$0x3FFD];
	_ =	sdelay $0x3  }
0x9c: {  	_ =	strace s4  }
0x9d: {  	_ =	strace $0x8FFFFFFF  }
0x9e: {  	s19 =	sld [smem:$0x3FDB];
	_ =	sdelay $0x1  }
0x9f: {  	s5 =	simm.s32 $_scs_section_size  }
0xa0: {  	s6 =	simm.s32 $_size__tile_overlayer_lowered;
	s7 =	simm.s32 $_tile_overlayer_lowered  }
0xa1: {  	s22 =	simm.s32 $0x1BFF;
	s21 =	sshll.u32 s7, $0x1;
	s4 =	sadd.s32 s5, s19  }
0xa2: {  	s8 =	simm.s32 $0x0;
	s20 =	sshll.u32 s6, $0x1;
	s6 =	sadd.s32 s21, s4  }
0xa3: {  	[timem:s8], [sflag:s22] =	dma.local [hbm:s6], s20  }
0xa4: {  	_ =	swait.ge [sflag:s22], s20  }
0xa5: {  	s5 =	ssub.s32 $0x0, s20;
	[sflag:s22] =	ssyncset.done $0x0  }
0xa6: {  	[sflag:s22] =	ssyncadd.s32 s5;
	_ =	sdelay $0x1  }
0xa7: {  	s23 =	simm.s32 $0x1B8B  }
0xa8: {  	_ =	swait.ge [sflag:s23], $0x1  }
0xa9: {  	[sflag:s23] =	ssyncset.done $0x0  }
0xaa: {  	s25 =	simm.s32 $0x1B8E;
	s24 =	sld [smem:$0x3FFE];
	[sflag:s23] =	ssyncadd.s32 $0xFFFFFFFF  }
0xab: {  	s26 =	simm.s32 $execute0_lowered;
	[smem:$0x3FD2] =	sst s25  }
0xac: {  	s6 =	sshll.u32 s26, $0x1;
	_ =	strace $0x80000046;
	[dreg:$0x1] =	wrdreg $0xFFFFFFFF  }
0xad: {  	s28 =	simm.s32 $_size_execute0_lowered;
	s4 =	sadd.s32 s4, s6;
	[dreg:$0x0] =	wrdreg $0x0  }
0xae: {  	s6 =	sshll.u32 s28, $0x1;
	[dreg:$0x2] =	wrdreg s4  }
0xaf: {  	[dreg:$0x3] =	wrdreg s6  }
0xb0: {  	[dreg:$0x4] =	wrdreg $0xC0  }
0xb1: {  	_ =	task [dreg:s8], $0x5FFFF  }
0xb2: {  	[dreg:$0x1] =	wrdreg $0xFFFFFFFF  }
0xb3: {  	[dreg:$0x0] =	wrdreg $0x60  }
0xb4: {  	[dreg:$0x2] =	wrdreg s16  }
0xb5: {  	[dreg:$0x3] =	wrdreg s24  }
0xb6: {  	[dreg:$0x4] =	wrdreg s17  }
0xb7: {  	[dreg:$0x5] =	wrdreg $0x9E200  }
0xb8: {  	[dreg:$0x6] =	wrdreg $0x9  }
0xb9: {  	_ =	task.clear_ibuf [dreg:s8], $0x7FFFF;
	_ =	strace $0x90000046  }
0xba: {  	s29 =	simm.s32 $0x9;
	_ =	strace $0x80000048  }
0xbb: {  	_ =	swait.ge [sflag:s29], $0x1  }
0xbc: {  	[sflag:s29] =	ssyncadd.s32 $0xFFFFFFFF  }
0xbd: {  	_ =	strace $0x90000048  }
0xbe: {  	_ =	sfence  }
0xbf: {  	s30 =	sld [smem:$0x0];
	_ =	sdelay $0x2  }
0xc0: {  	s31 =	sshll.u32 s1, $0xD;
	s1 =	sshrl.u32 s1, $0x2  }
0xc1: {  	s3 =	sand.u32 $0x4000, s31;
	s1 =	sadd.s32 s1, s30  }
0xc2: {  	s0 =	sor.u32 s3, s0;
	s1 =	sshll.u32 s1, $0x11  }
0xc3: {  	s0 =	sor.u32 s1, s0  }
0xc4: {  	s0 =	sadd.s32 $0x8F2B, s0  }
0xc5: {  	[sflag:s0] =	ssyncadd.remote.s32 $0x1  }
0xc6: {  	_ =	sfence.sel $0xFFFF  }
0xc7: {  	[dreg:$0x0] =	wrdreg $0xFFFFFFFF;
	(pc) =	sbr.abs _section_cstart, $3  }
0xc8: {  	[dreg:$0x1] =	wrdreg $0xFFFFFFFF  }
0xc9: {  	_ =	task.clear_ibuf [dreg:s8], $0x2FFFF;
	_ =	strace $0x9FFFFFFF  }
0xca: {  	(tm) =	ssettm $0x7FFFFFFF  }
0xcb: {  	_ =	shalt  }
tec
execute0_lowered:
.L_overlay_start_1:
0x0: {  	(tag) =	ssettag $0x1  }
0x1: {  	s1 =	rddreg [dreg:$0x0]  }
0x2: {  	s0 =	rddreg [dreg:$0x1];
	s2 =	srdreg.scid  }
0x3: {  	s10 =	stileid.u32;
	s9 =	rddreg [dreg:$0x2]  }
0x4: {  	s3 =	rddreg [dreg:$0x3];
	s12 =	simm.s32 $0x9;
	s13 =	simm.s32 $0x2800  }
0x5: {  	s14 =	simm.s32 $0x7D;
	s15 =	simm.s32 $0x5000;
	s17 =	simm.s32 $0x6388  }
0x6: {  	s18 =	simm.s32 $0x1;
	s20 =	simm.s32 $0x7710;
	s21 =	simm.s32 $0x2  }
0x7: {  	s24 =	simm.s32 $0x8A98;
	s25 =	simm.s32 $0x3;
	s28 =	simm.s32 $0x5  }
0x8: {  	s30 =	simm.s32 $0x4;
	s16 =	simm.s32 $0x7;
	s19 =	simm.s32 $0x8  }
0x9: {  	s22 =	simm.s32 $0x0;
	s2 =	sand.u32 $0x1, s2;
	s4 =	sshll.u32 s10, $0x1  }
0xa: {  	s7 =	smul.u32 $0xC800, s10;
	s10 =	sshll.u32 s10, $0x6;
	s5 =	sor.u32 s2, s4  }
0xb: {  	s4 =	simm.s32 $0x0;
	s6 =	ssub.s32 $0x2, s2;
	s2 =	smul.u32 $0xC8000, s2  }
0xc: {  	s5 =	smul.u32 $0x2800, s5;
	[smem:$0x7FF] =	sst s4;
	s31 =	sshrl.u32 s7, $0x1  }
0xd: {  	s29 =	sshrl.u32 s6, $0x1;
	_ =	strace $0x80000047;
	s11 =	sadd.s32 s31, s3  }
.Ltmp0:
0xe: {  	s2 =	sadd.s32 s7, s2;
	s5 =	sshrl.u32 s5, $0x3;
	(pc) =	sbr.rel .LBB2_1-.Ltmp0, $4  }
0xf: {  	s2 =	sshrl.u32 s2, $0x4;
	s11 =	sshrl.u32 s11, $0x3;
	s8 =	sadd.s32 s5, s0  }
0x10: {  	s5 =	sadd.s32 $0x1200, s0;
	s0 =	ssub.s32 s6, s29;
	s6 =	sor.u32 $0x1C09, s10  }
0x11: {  	s9 =	sadd.s32 s9, s2;
	s2 =	simm.s32 $0x6;
	s7 =	sadd.s32 $0x2000, s8  }
0x12: {  	s8 =	sadd.s32 $0xC000, s8;
	s10 =	smax.u32 s0, $0x1;
	s0 =	simm.s32 $0x280  }
.LBB2_4:
0x13: {  	_ =	swait.ge [sflag:s30], $0x1388  }
0x14: {  	[sflag:s30] =	ssyncset.done $0x0  }
0x15: {  	[sflag:s30] =	ssyncadd.s32 $0xFFFFEC78  }
0x16: {  	[spmem:s3] =	stream.indirect.scatter.add.bf16 [tilespmem:s24], [sflag:$0x8], $0x28, s29, s14, $0xb8;
	[tilespmem:$0x10220] =	vst v63  }
0x17: {  	_ =	swait.ge [sflag:s28], $0x1388  }
0x18: {  	[sflag:s28] =	ssyncset.done $0x0  }
0x19: {  	[sflag:s28] =	ssyncadd.s32 $0xFFFFEC78  }
0x1a: {  	_ =	swait.ge [sflag:s2], $0x1388  }
0x1b: {  	[sflag:s2] =	ssyncset.done $0x0  }
0x1c: {  	[sflag:s2] =	ssyncadd.s32 $0xFFFFEC78  }
0x1d: {  	_ =	swait.ge [sflag:s16], $0x1388  }
0x1e: {  	[sflag:s16] =	ssyncset.done $0x0  }
0x1f: {  	[sflag:s16] =	ssyncadd.s32 $0xFFFFEC78  }
0x20: {  	_ =	swait.ge [sflag:s19], $0x1388  }
0x21: {  	s22 =	sadd.s32 $0x1, s22;
	[sflag:s19] =	ssyncset.done $0x0  }
0x22: {  	p0 =	sne.s32 s22, s10;
	[sflag:s19] =	ssyncadd.s32 $0xFFFFEC78  }
.Ltmp1:
0x23: {  	[bflag:$0x0] =	sbarrier.arrive $0xFFFF;
	(pc) =	sbr.rel @!p0 .LBB2_5-.Ltmp1, $4  }
0x24: {  	[hbm:s9], [sflag:s6] =	dma.local [spmem:s11], $0xC80  }
0x25: {  	_ =	swait.ge [sflag:s12], $0xC80  }
0x26: {  	[sflag:s12] =	ssyncset.done $0x0  }
0x27: {  	[sflag:s12] =	ssyncadd.s32 $0xFFFFF380  }
.LBB2_1:
0x28: {  	[spmem:s11], [sflag:s6] =	dma.local [hbm:s5], $0xC80  }
0x29: {  	_ =	swait.ge [sflag:s12], $0xC80  }
0x2a: {  	[sflag:s12] =	ssyncset.done $0x0  }
0x2b: {  	[sflag:s12] =	ssyncadd.s32 $0xFFFFF380  }
0x2c: {  	[tilespmem:s4], [sflag:$0x9] =	stream.linear.gather [hbm4b:s7+s4], $0x2800, $0x38;
	[tilespmem:$0x10220] =	vst v63  }
0x2d: {  	_ =	swait.ge [sflag:s12], $0x2800  }
0x2e: {  	[sflag:s12] =	ssyncset.done $0x0  }
0x2f: {  	[sflag:s12] =	ssyncadd.s32 $0xFFFFD800  }
0x30: {  	[tilespmem:s13], [sflag:$0x9] =	stream.linear.gather [hbm4b:s8+s4], $0x2800, $0x38;
	[tilespmem:$0x10220] =	vst v63  }
0x31: {  	_ =	swait.ge [sflag:s12], $0x2800  }
0x32: {  	[sflag:s12] =	ssyncset.done $0x0  }
0x33: {  	[sflag:s12] =	ssyncadd.s32 $0xFFFFD800  }
0x34: {  	[bflag:$0x0] =	sbarrier.arrive $0xFFFF  }
0x35: {  	[tilespmem:s15], [sflag:$0x1] =	stream.indirect.gather [hbm4b:s1+s14], $0x28, s4, s14, $0xb8;
	[tilespmem:$0x10220] =	vst v63  }
0x36: {  	s23 =	simm.s32 $0x80  }
0x37: {  	[tilespmem:s17], [sflag:$0x2] =	stream.indirect.gather [hbm4b:s1+s14], $0x28, s23, s14, $0xb8;
	[tilespmem:$0x10220] =	vst v63  }
0x38: {  	_ =	swait.ge [sflag:s18], $0x1388  }
0x39: {  	[sflag:s18] =	ssyncset.done $0x0  }
0x3a: {  	[sflag:s18] =	ssyncadd.s32 $0xFFFFEC78  }
0x3b: {  	[spmem:s3] =	stream.indirect.scatter.add.bf16 [tilespmem:s15], [sflag:$0x5], $0x28, s13, s14, $0xb8;
	[tilespmem:$0x10220] =	vst v63  }
0x3c: {  	s26 =	simm.s32 $0x100  }
0x3d: {  	[tilespmem:s20], [sflag:$0x3] =	stream.indirect.gather [hbm4b:s1+s14], $0x28, s26, s14, $0xb8;
	[tilespmem:$0x10220] =	vst v63  }
0x3e: {  	_ =	swait.ge [sflag:s21], $0x1388  }
0x3f: {  	[sflag:s21] =	ssyncset.done $0x0  }
0x40: {  	s29 =	simm.s32 $0x2880;
	[sflag:s21] =	ssyncadd.s32 $0xFFFFEC78  }
0x41: {  	[spmem:s3] =	stream.indirect.scatter.add.bf16 [tilespmem:s17], [sflag:$0x6], $0x28, s29, s14, $0xb8;
	[tilespmem:$0x10220] =	vst v63  }
0x42: {  	s31 =	simm.s32 $0x180  }
0x43: {  	[tilespmem:s24], [sflag:$0x4] =	stream.indirect.gather [hbm4b:s1+s14], $0x28, s31, s14, $0xb8;
	[tilespmem:$0x10220] =	vst v63  }
0x44: {  	_ =	swait.ge [sflag:s25], $0x1388  }
0x45: {  	[sflag:s25] =	ssyncset.done $0x0  }
0x46: {  	s26 =	simm.s32 $0x2900;
	[sflag:s25] =	ssyncadd.s32 $0xFFFFEC78  }
0x47: {  	[spmem:s3] =	stream.indirect.scatter.add.bf16 [tilespmem:s20], [sflag:$0x7], $0x28, s26, s14, $0xb8;
	[tilespmem:$0x10220] =	vst v63  }
0x48: {  	_ =	swait.ge [sflag:s28], $0x1388  }
0x49: {  	[sflag:s28] =	ssyncset.done $0x0  }
0x4a: {  	s29 =	simm.s32 $0x200;
	[sflag:s28] =	ssyncadd.s32 $0xFFFFEC78  }
0x4b: {  	[tilespmem:s15], [sflag:$0x1] =	stream.indirect.gather [hbm4b:s1+s14], $0x28, s29, s14, $0xb8;
	[tilespmem:$0x10220] =	vst v63  }
0x4c: {  	_ =	swait.ge [sflag:s30], $0x1388  }
0x4d: {  	[sflag:s30] =	ssyncset.done $0x0  }
0x4e: {  	s31 =	simm.s32 $0x2980;
	[sflag:s30] =	ssyncadd.s32 $0xFFFFEC78  }
0x4f: {  	[spmem:s3] =	stream.indirect.scatter.add.bf16 [tilespmem:s24], [sflag:$0x8], $0x28, s31, s14, $0xb8;
	[tilespmem:$0x10220] =	vst v63  }
0x50: {  	_ =	swait.ge [sflag:s2], $0x1388  }
0x51: {  	[sflag:s2] =	ssyncset.done $0x0  }
0x52: {  	s23 =	simm.s32 $0x0;
	[sflag:s2] =	ssyncadd.s32 $0xFFFFEC78  }
0x53: {  	[tilespmem:s17], [sflag:$0x2] =	stream.indirect.gather [hbm4b:s1+s14], $0x28, s0, s14, $0xb8;
	[tilespmem:$0x10220] =	vst v63  }
.LBB2_2:
0x54: {  	_ =	swait.ge [sflag:s18], $0x1388  }
0x55: {  	s26 =	sshra.s32 s23, $0x2;
	[sflag:s18] =	ssyncset.done $0x0  }
0x56: {  	s29 =	sadd.s32 $0x2A00, s26;
	[sflag:s18] =	ssyncadd.s32 $0xFFFFEC78  }
0x57: {  	[spmem:s3] =	stream.indirect.scatter.add.bf16 [tilespmem:s15], [sflag:$0x5], $0x28, s29, s14, $0xb8;
	[tilespmem:$0x10220] =	vst v63  }
0x58: {  	_ =	swait.ge [sflag:s16], $0x1388  }
0x59: {  	[sflag:s16] =	ssyncset.done $0x0  }
0x5a: {  	s29 =	sadd.s32 $0x300, s26;
	[sflag:s16] =	ssyncadd.s32 $0xFFFFEC78  }
0x5b: {  	[tilespmem:s20], [sflag:$0x3] =	stream.indirect.gather [hbm4b:s1+s14], $0x28, s29, s14, $0xb8;
	[tilespmem:$0x10220] =	vst v63  }
0x5c: {  	_ =	swait.ge [sflag:s21], $0x1388  }
0x5d: {  	[sflag:s21] =	ssyncset.done $0x0  }
0x5e: {  	s29 =	sadd.s32 $0x2A80, s26;
	[sflag:s21] =	ssyncadd.s32 $0xFFFFEC78  }
0x5f: {  	[spmem:s3] =	stream.indirect.scatter.add.bf16 [tilespmem:s17], [sflag:$0x6], $0x28, s29, s14, $0xb8;
	[tilespmem:$0x10220] =	vst v63  }
0x60: {  	_ =	swait.ge [sflag:s19], $0x1388  }
0x61: {  	[sflag:s19] =	ssyncset.done $0x0  }
0x62: {  	p0 =	seq.s32 s23, $0x9000;
	s29 =	sadd.s32 $0x380, s26;
	[sflag:s19] =	ssyncadd.s32 $0xFFFFEC78  }
0x63: {  	[tilespmem:s24], [sflag:$0x4] =	stream.indirect.gather [hbm4b:s1+s14], $0x28, s29, s14, $0xb8;
	[tilespmem:$0x10220] =	vst v63  }
.Ltmp2:
0x64: {  	_ =	swait.ge [sflag:s25], $0x1388;
	(pc) =	sbr.rel @p0 .LBB2_4-.Ltmp2, $4  }
0x65: {  	[sflag:s25] =	ssyncset.done $0x0  }
0x66: {  	s29 =	sadd.s32 $0x2B00, s26;
	[sflag:s25] =	ssyncadd.s32 $0xFFFFEC78  }
0x67: {  	[spmem:s3] =	stream.indirect.scatter.add.bf16 [tilespmem:s20], [sflag:$0x7], $0x28, s29, s14, $0xb8;
	[tilespmem:$0x10220] =	vst v63  }
0x68: {  	s29 =	sadd.s32 $0x2B80, s26  }
0x69: {  	_ =	swait.ge [sflag:s28], $0x1388  }
0x6a: {  	[sflag:s28] =	ssyncset.done $0x0  }
0x6b: {  	s31 =	sadd.s32 $0x400, s26;
	[sflag:s28] =	ssyncadd.s32 $0xFFFFEC78  }
0x6c: {  	[tilespmem:s15], [sflag:$0x1] =	stream.indirect.gather [hbm4b:s1+s14], $0x28, s31, s14, $0xb8;
	[tilespmem:$0x10220] =	vst v63  }
0x6d: {  	_ =	swait.ge [sflag:s30], $0x1388  }
0x6e: {  	[sflag:s30] =	ssyncset.done $0x0  }
0x6f: {  	[sflag:s30] =	ssyncadd.s32 $0xFFFFEC78  }
0x70: {  	[spmem:s3] =	stream.indirect.scatter.add.bf16 [tilespmem:s24], [sflag:$0x8], $0x28, s29, s14, $0xb8;
	[tilespmem:$0x10220] =	vst v63  }
.Ltmp3:
0x71: {  	_ = 	snop;
	(pc) =	sbr.rel .LBB2_2-.Ltmp3, $4  }
0x72: {  	_ =	swait.ge [sflag:s2], $0x1388  }
0x73: {  	[sflag:s2] =	ssyncset.done $0x0  }
0x74: {  	s23 =	sadd.s32 $0x800, s23;
	s31 =	sadd.s32 $0x480, s26;
	[sflag:s2] =	ssyncadd.s32 $0xFFFFEC78  }
0x75: {  	[tilespmem:s17], [sflag:$0x2] =	stream.indirect.gather [hbm4b:s1+s14], $0x28, s31, s14, $0xb8;
	[tilespmem:$0x10220] =	vst v63  }
.LBB2_5:
0x76: {  	_ =	sfence.sel $0x180000  }
0x77: {  	[bflag:$0x0] =	sbarrier.arrive $0xFFFF  }
0x78: {  	_ =	strace $0x90000047  }
0x79: {  	s0 =	stileid.u32;
	[bflag:$0x2] =	sbarrier.arrive $0xFFFF  }
0x7a: {  	p0 =	sne.s32 s0, $0x0;
	s0 =	rddreg [dreg:$0x4]  }
0x7b: {  	s0 =	sadd.s32 @!p0 $0x100000, s0  }
0x7c: {  	[sflag:s0] =	ssyncadd.tile.s32 @!p0 $0x1;
	_ =	shalt  }
.Lfunc_end2:
_tile_overlayer_lowered:
.L_overlay_start_2:
0x7d: {  	(tag) =	ssettag $0x2  }
0x7e: {  	s0 =	rddreg [dreg:$0x0];
	s2 =	stileid.u32  }
0x7f: {  	s1 =	rddreg [dreg:$0x1];
	p0 =	sne.s32 s2, $0x0  }
0x80: {  	s3 =	rddreg [dreg:$0x2];
	[bflag:$0x3] =	sbarrier.arrive $0xFFFF;
	s2 =	simm.s32 @!p0 $0x1C09  }
0x81: {  	[timem:s3], [sflag:s2] =	dma.local @!p0 [hbm:s0], s1  }
0x82: {  	s0 =	simm.s32 @!p0 $0x9  }
0x83: {  	_ =	swait.ge @!p0 [sflag:s0], s1  }
0x84: {  	s1 =	ssub.s32 @!p0 $0x0, s1;
	[sflag:s0] =	ssyncset.done @!p0 $0x0  }
0x85: {  	[sflag:s0] =	ssyncadd.s32 @!p0 s1  }
0x86: {  	[bflag:$0x3] =	sbarrier.arrive $0xFFFF  }
0x87: {  	_ =	shalt  }

</sc_bundles>
